<compile_context>
chip_gen: v7x
topology: tpu7x:2x2x1
jax: 0.10.2.dev20260603
libtpu: 0.0.44.dev20260713+nightly
codegen_flags: <defaults>
</compile_context>

<pallas_src>
import functools

import jax
import jax.numpy as jnp
from jax import lax
from jax.experimental import pallas as pl
from jax.experimental.pallas import tpu as pltpu
from jax.experimental.pallas import tpu_sc as plsc

_DIM = 1152
_BATCH = 16384
_NC = 2
_NS = 16
_NW = _NC * _NS
_BPW = _BATCH // _NW
_CHUNK = 32
_NCHUNK = _BPW // _CHUNK
_NBUF = 3


def _make_gather():
    mesh = plsc.VectorSubcoreMesh(core_axis_name="c", subcore_axis_name="s")

    @functools.partial(
        pl.kernel,
        mesh=mesh,
        out_type=jax.ShapeDtypeStruct((_BATCH, _DIM), jnp.float32),
        scratch_types=[
            pltpu.VMEM((_BPW,), jnp.int32),
            pltpu.VMEM((_CHUNK, _DIM), jnp.float32),
            pltpu.VMEM((_CHUNK, _DIM), jnp.float32),
            pltpu.VMEM((_CHUNK, _DIM), jnp.float32),
            pltpu.SemaphoreType.DMA,
            pltpu.SemaphoreType.DMA,
            pltpu.SemaphoreType.DMA,
            pltpu.SemaphoreType.DMA,
            pltpu.SemaphoreType.DMA,
            pltpu.SemaphoreType.DMA,
        ],
    )
    def k(table_hbm, idx_hbm, out_hbm, idx_v, buf0, buf1, buf2,
          gs0, gs1, gs2, ws0, ws1, ws2):
        wid = lax.axis_index("s") * _NC + lax.axis_index("c")
        base = wid * _BPW
        pltpu.sync_copy(idx_hbm.at[pl.ds(base, _BPW)], idx_v)
        bufs = (buf0, buf1, buf2)
        gsems = (gs0, gs1, gs2)
        wsems = (ws0, ws1, ws2)

        def gather_start(c):
            return pltpu.async_copy(
                table_hbm.at[idx_v.at[pl.ds(c * _CHUNK, _CHUNK)]],
                bufs[c % _NBUF], gsems[c % _NBUF])

        def write_start(c):
            return pltpu.async_copy(
                bufs[c % _NBUF], out_hbm.at[pl.ds(base + c * _CHUNK, _CHUNK)],
                wsems[c % _NBUF])

        gcp = [None] * _NCHUNK
        wcp = [None] * _NCHUNK
        for c in range(_NBUF):
            gcp[c] = gather_start(c)
        for c in range(_NCHUNK):
            gcp[c].wait()
            wcp[c] = write_start(c)
            if c + _NBUF < _NCHUNK:
                wcp[c].wait()
                gcp[c + _NBUF] = gather_start(c + _NBUF)
        for c in range(_NCHUNK - _NBUF, _NCHUNK):
            wcp[c].wait()

    return k


_gather = _make_gather()


def kernel(labels, train, embedding_table):
    del train
    return _gather(embedding_table, labels.astype(jnp.int32))

# --- scband reference (transcript-rebuilt; emitter-appended) ---
"""Pipeline reference for scband-label-embedder-27659589386597 (READ-ONLY COPY).

The authoritative reference and input builder live on the scoring server;
editing this copy changes nothing except your own understanding.
"""

import jax, jax.numpy as jnp
import numpy as np

NUM_LABELS = 1000
DIM = 1152
BATCH = 16384
DROPOUT_PROB = 0.1
# use_cfg_embedding = dropout_prob > 0 -> table has NUM_LABELS + 1 rows
TABLE_ROWS = NUM_LABELS + 1


def setup_inputs(seed: int = 0) -> dict:
    key = jax.random.key(seed)
    k_lab, k_tab = jax.random.split(key)
    labels = jax.random.randint(k_lab, (BATCH,), 0, NUM_LABELS, dtype=jnp.int64 if jax.config.read('jax_enable_x64') else jnp.int32)
    embedding_table = jax.random.normal(k_tab, (TABLE_ROWS, DIM), dtype=jnp.float32) * 0.02
    train = False  # eval path: no token drop, deterministic
    return {"labels": labels, "train": train, "embedding_table": embedding_table}


def reference(labels, train, embedding_table):
    # LabelEmbedder.__call__ with train=False, force_drop_ids=None:
    # use_dropout = dropout_prob > 0 (True), but (train and use_dropout) is False
    # and force_drop_ids is None -> no token_drop; plain embedding lookup.
    embeddings = jnp.take(embedding_table, labels, axis=0)
    return embeddings

if __name__ == "__main__":
    import jax
    _d = setup_inputs()
    print(jax.jit(kernel)(*tuple(_d.values())))

</pallas_src>

<mosaic_0001>
#map = affine_map<(d0, d1) -> (0, 0)>
#map1 = affine_map<(d0, d1) -> (0)>
module attributes {stable_mosaic.version = 14 : i64} {
  func.func @k(%arg0: i32, %arg1: i32, %arg2: memref<1001x1152xf32, #tpu.memory_space<hbm>>, %arg3: memref<16384xi32, #tpu.memory_space<hbm>>, %arg4: memref<16384x1152xf32, #tpu.memory_space<hbm>>, %arg5: memref<512xi32, #tpu.memory_space<vmem>>, %arg6: memref<32x1152xf32, #tpu.memory_space<vmem>>, %arg7: memref<32x1152xf32, #tpu.memory_space<vmem>>, %arg8: memref<32x1152xf32, #tpu.memory_space<vmem>>, %arg9: memref<!tpu.dma_semaphore, #tpu.memory_space<semaphore_mem>>, %arg10: memref<!tpu.dma_semaphore, #tpu.memory_space<semaphore_mem>>, %arg11: memref<!tpu.dma_semaphore, #tpu.memory_space<semaphore_mem>>, %arg12: memref<!tpu.dma_semaphore, #tpu.memory_space<semaphore_mem>>, %arg13: memref<!tpu.dma_semaphore, #tpu.memory_space<semaphore_mem>>, %arg14: memref<!tpu.dma_semaphore, #tpu.memory_space<semaphore_mem>>) attributes {dimension_semantics = [#tpu.dimension_semantics<core_parallel>, #tpu.dimension_semantics<subcore_parallel>], iteration_bounds = array<i64: 2, 16>, scalar_prefetch = 0 : i64, scratch_operands = 10 : i64, tpu.core_type = #tpu.core_type<sc_vector_subcore>, window_params = [{transform_indices = #map}, {transform_indices = #map1}, {transform_indices = #map}]} {
    %mul3A = arith.constant 2 : i32
    %mul3A_0 = arith.muli %arg1, %mul3A : i32
    %add3A = arith.addi %mul3A_0, %arg0 : i32
    %mul3A_1 = arith.constant 512 : i32
    %mul3A_2 = arith.muli %add3A, %mul3A_1 : i32
    "tpu.region"() ({
      %run_scoped3A = tpu.sem_alloc : memref<!tpu.dma_semaphore, #tpu.memory_space<semaphore_mem>>
      %dma_start3A_321 = tpu.memref_slice %arg3[%mul3A_2] : memref<16384xi32, #tpu.memory_space<hbm>> -> memref<512xi32, #tpu.memory_space<hbm>>
      %dma_start3A_322 = tpu.memref_slice %arg3[%mul3A_2] : memref<16384xi32, #tpu.memory_space<hbm>> -> memref<512xi32, #tpu.memory_space<hbm>>
      tpu.enqueue_dma source(%dma_start3A_322 : memref<512xi32, #tpu.memory_space<hbm>>) target(%arg5 : memref<512xi32, #tpu.memory_space<vmem>>) target_semaphore(%run_scoped3A : memref<!tpu.dma_semaphore, #tpu.memory_space<semaphore_mem>>)
      %dma_wait3A_323 = tpu.memref_slice %arg3[%mul3A_2] : memref<16384xi32, #tpu.memory_space<hbm>> -> memref<512xi32, #tpu.memory_space<hbm>>
      %dma_wait3A_324 = tpu.memref_slice %arg3[%mul3A_2] : memref<16384xi32, #tpu.memory_space<hbm>> -> memref<512xi32, #tpu.memory_space<hbm>>
      tpu.wait_dma2 semaphore(%run_scoped3A : memref<!tpu.dma_semaphore, #tpu.memory_space<semaphore_mem>>) src(%dma_wait3A_324 : memref<512xi32, #tpu.memory_space<hbm>>) dst(%arg5 : memref<512xi32, #tpu.memory_space<vmem>>)
      tpu.yield
    }) : () -> ()
    %dma_start3A = arith.constant 0 : i32
    %dma_start3A_3 = tpu.memref_slice %arg5[%dma_start3A] : memref<512xi32, #tpu.memory_space<vmem>> -> memref<32xi32, #tpu.memory_space<vmem>>
    %dma_start3A_4 = arith.constant 0 : i32
    %dma_start3A_5 = arith.constant 0 : i32
    %dma_start3A_6 = tpu.memref_slice %arg2[%dma_start3A_4, %dma_start3A_5] : memref<1001x1152xf32, #tpu.memory_space<hbm>> -> memref<1001x1152xf32, #tpu.memory_space<hbm>>
    tpu.enqueue_indirect_dma source(%dma_start3A_6 : memref<1001x1152xf32, #tpu.memory_space<hbm>>) target(%arg6 : memref<32x1152xf32, #tpu.memory_space<vmem>>) offsets(%dma_start3A_3 : memref<32xi32, #tpu.memory_space<vmem>>) semaphore(%arg9 : memref<!tpu.dma_semaphore, #tpu.memory_space<semaphore_mem>>)
    %dma_start3A_7 = arith.constant 32 : i32
    %dma_start3A_8 = tpu.memref_slice %arg5[%dma_start3A_7] : memref<512xi32, #tpu.memory_space<vmem>> -> memref<32xi32, #tpu.memory_space<vmem>>
    %dma_start3A_9 = arith.constant 0 : i32
    %dma_start3A_10 = arith.constant 0 : i32
    %dma_start3A_11 = tpu.memref_slice %arg2[%dma_start3A_9, %dma_start3A_10] : memref<1001x1152xf32, #tpu.memory_space<hbm>> -> memref<1001x1152xf32, #tpu.memory_space<hbm>>
    tpu.enqueue_indirect_dma source(%dma_start3A_11 : memref<1001x1152xf32, #tpu.memory_space<hbm>>) target(%arg7 : memref<32x1152xf32, #tpu.memory_space<vmem>>) offsets(%dma_start3A_8 : memref<32xi32, #tpu.memory_space<vmem>>) semaphore(%arg10 : memref<!tpu.dma_semaphore, #tpu.memory_space<semaphore_mem>>)
    %dma_start3A_12 = arith.constant 64 : i32
    %dma_start3A_13 = tpu.memref_slice %arg5[%dma_start3A_12] : memref<512xi32, #tpu.memory_space<vmem>> -> memref<32xi32, #tpu.memory_space<vmem>>
    %dma_start3A_14 = arith.constant 0 : i32
    %dma_start3A_15 = arith.constant 0 : i32
    %dma_start3A_16 = tpu.memref_slice %arg2[%dma_start3A_14, %dma_start3A_15] : memref<1001x1152xf32, #tpu.memory_space<hbm>> -> memref<1001x1152xf32, #tpu.memory_space<hbm>>
    tpu.enqueue_indirect_dma source(%dma_start3A_16 : memref<1001x1152xf32, #tpu.memory_space<hbm>>) target(%arg8 : memref<32x1152xf32, #tpu.memory_space<vmem>>) offsets(%dma_start3A_13 : memref<32xi32, #tpu.memory_space<vmem>>) semaphore(%arg11 : memref<!tpu.dma_semaphore, #tpu.memory_space<semaphore_mem>>)
    %dma_wait3A = arith.constant 0 : i32
    %dma_wait3A_17 = tpu.memref_slice %arg5[%dma_wait3A] : memref<512xi32, #tpu.memory_space<vmem>> -> memref<32xi32, #tpu.memory_space<vmem>>
    %dma_wait3A_18 = arith.constant 0 : i32
    %dma_wait3A_19 = arith.constant 0 : i32
    %dma_wait3A_20 = tpu.memref_slice %arg2[%dma_wait3A_18, %dma_wait3A_19] : memref<1001x1152xf32, #tpu.memory_space<hbm>> -> memref<1001x1152xf32, #tpu.memory_space<hbm>>
    tpu.wait_indirect_dma semaphore(%arg9 : memref<!tpu.dma_semaphore, #tpu.memory_space<semaphore_mem>>) src(%dma_wait3A_20 : memref<1001x1152xf32, #tpu.memory_space<hbm>>) dst(%arg6 : memref<32x1152xf32, #tpu.memory_space<vmem>>)
    %add3A_21 = arith.constant 0 : i32
    %add3A_22 = arith.addi %mul3A_2, %add3A_21 : i32
    %dma_start3A_23 = arith.constant 0 : i32
    %dma_start3A_24 = tpu.memref_slice %arg4[%add3A_22, %dma_start3A_23] : memref<16384x1152xf32, #tpu.memory_space<hbm>> -> memref<32x1152xf32, #tpu.memory_space<hbm>>
    %dma_start3A_25 = arith.constant 0 : i32
    %dma_start3A_26 = tpu.memref_slice %arg4[%add3A_22, %dma_start3A_25] : memref<16384x1152xf32, #tpu.memory_space<hbm>> -> memref<32x1152xf32, #tpu.memory_space<hbm>>
    tpu.enqueue_dma source(%arg6 : memref<32x1152xf32, #tpu.memory_space<vmem>>) target(%dma_start3A_26 : memref<32x1152xf32, #tpu.memory_space<hbm>>) target_semaphore(%arg12 : memref<!tpu.dma_semaphore, #tpu.memory_space<semaphore_mem>>)
    %dma_wait3A_27 = arith.constant 0 : i32
    %dma_wait3A_28 = tpu.memref_slice %arg4[%add3A_22, %dma_wait3A_27] : memref<16384x1152xf32, #tpu.memory_space<hbm>> -> memref<32x1152xf32, #tpu.memory_space<hbm>>
    %dma_wait3A_29 = arith.constant 0 : i32
    %dma_wait3A_30 = tpu.memref_slice %arg4[%add3A_22, %dma_wait3A_29] : memref<16384x1152xf32, #tpu.memory_space<hbm>> -> memref<32x1152xf32, #tpu.memory_space<hbm>>
    tpu.wait_dma2 semaphore(%arg12 : memref<!tpu.dma_semaphore, #tpu.memory_space<semaphore_mem>>) src(%arg6 : memref<32x1152xf32, #tpu.memory_space<vmem>>) dst(%dma_wait3A_30 : memref<32x1152xf32, #tpu.memory_space<hbm>>)
    %dma_start3A_31 = arith.constant 96 : i32
    %dma_start3A_32 = tpu.memref_slice %arg5[%dma_start3A_31] : memref<512xi32, #tpu.memory_space<vmem>> -> memref<32xi32, #tpu.memory_space<vmem>>
    %dma_start3A_33 = arith.constant 0 : i32
    %dma_start3A_34 = arith.constant 0 : i32
    %dma_start3A_35 = tpu.memref_slice %arg2[%dma_start3A_33, %dma_start3A_34] : memref<1001x1152xf32, #tpu.memory_space<hbm>> -> memref<1001x1152xf32, #tpu.memory_space<hbm>>
    tpu.enqueue_indirect_dma source(%dma_start3A_35 : memref<1001x1152xf32, #tpu.memory_space<hbm>>) target(%arg6 : memref<32x1152xf32, #tpu.memory_space<vmem>>) offsets(%dma_start3A_32 : memref<32xi32, #tpu.memory_space<vmem>>) semaphore(%arg9 : memref<!tpu.dma_semaphore, #tpu.memory_space<semaphore_mem>>)
    %dma_wait3A_36 = arith.constant 32 : i32
    %dma_wait3A_37 = tpu.memref_slice %arg5[%dma_wait3A_36] : memref<512xi32, #tpu.memory_space<vmem>> -> memref<32xi32, #tpu.memory_space<vmem>>
    %dma_wait3A_38 = arith.constant 0 : i32
    %dma_wait3A_39 = arith.constant 0 : i32
    %dma_wait3A_40 = tpu.memref_slice %arg2[%dma_wait3A_38, %dma_wait3A_39] : memref<1001x1152xf32, #tpu.memory_space<hbm>> -> memref<1001x1152xf32, #tpu.memory_space<hbm>>
    tpu.wait_indirect_dma semaphore(%arg10 : memref<!tpu.dma_semaphore, #tpu.memory_space<semaphore_mem>>) src(%dma_wait3A_40 : memref<1001x1152xf32, #tpu.memory_space<hbm>>) dst(%arg7 : memref<32x1152xf32, #tpu.memory_space<vmem>>)
    %add3A_41 = arith.constant 32 : i32
    %add3A_42 = arith.addi %mul3A_2, %add3A_41 : i32
    %dma_start3A_43 = arith.constant 0 : i32
    %dma_start3A_44 = tpu.memref_slice %arg4[%add3A_42, %dma_start3A_43] : memref<16384x1152xf32, #tpu.memory_space<hbm>> -> memref<32x1152xf32, #tpu.memory_space<hbm>>
    %dma_start3A_45 = arith.constant 0 : i32
    %dma_start3A_46 = tpu.memref_slice %arg4[%add3A_42, %dma_start3A_45] : memref<16384x1152xf32, #tpu.memory_space<hbm>> -> memref<32x1152xf32, #tpu.memory_space<hbm>>
    tpu.enqueue_dma source(%arg7 : memref<32x1152xf32, #tpu.memory_space<vmem>>) target(%dma_start3A_46 : memref<32x1152xf32, #tpu.memory_space<hbm>>) target_semaphore(%arg13 : memref<!tpu.dma_semaphore, #tpu.memory_space<semaphore_mem>>)
    %dma_wait3A_47 = arith.constant 0 : i32
    %dma_wait3A_48 = tpu.memref_slice %arg4[%add3A_42, %dma_wait3A_47] : memref<16384x1152xf32, #tpu.memory_space<hbm>> -> memref<32x1152xf32, #tpu.memory_space<hbm>>
    %dma_wait3A_49 = arith.constant 0 : i32
    %dma_wait3A_50 = tpu.memref_slice %arg4[%add3A_42, %dma_wait3A_49] : memref<16384x1152xf32, #tpu.memory_space<hbm>> -> memref<32x1152xf32, #tpu.memory_space<hbm>>
    tpu.wait_dma2 semaphore(%arg13 : memref<!tpu.dma_semaphore, #tpu.memory_space<semaphore_mem>>) src(%arg7 : memref<32x1152xf32, #tpu.memory_space<vmem>>) dst(%dma_wait3A_50 : memref<32x1152xf32, #tpu.memory_space<hbm>>)
    %dma_start3A_51 = arith.constant 128 : i32
    %dma_start3A_52 = tpu.memref_slice %arg5[%dma_start3A_51] : memref<512xi32, #tpu.memory_space<vmem>> -> memref<32xi32, #tpu.memory_space<vmem>>
    %dma_start3A_53 = arith.constant 0 : i32
    %dma_start3A_54 = arith.constant 0 : i32
    %dma_start3A_55 = tpu.memref_slice %arg2[%dma_start3A_53, %dma_start3A_54] : memref<1001x1152xf32, #tpu.memory_space<hbm>> -> memref<1001x1152xf32, #tpu.memory_space<hbm>>
    tpu.enqueue_indirect_dma source(%dma_start3A_55 : memref<1001x1152xf32, #tpu.memory_space<hbm>>) target(%arg7 : memref<32x1152xf32, #tpu.memory_space<vmem>>) offsets(%dma_start3A_52 : memref<32xi32, #tpu.memory_space<vmem>>) semaphore(%arg10 : memref<!tpu.dma_semaphore, #tpu.memory_space<semaphore_mem>>)
    %dma_wait3A_56 = arith.constant 64 : i32
    %dma_wait3A_57 = tpu.memref_slice %arg5[%dma_wait3A_56] : memref<512xi32, #tpu.memory_space<vmem>> -> memref<32xi32, #tpu.memory_space<vmem>>
    %dma_wait3A_58 = arith.constant 0 : i32
    %dma_wait3A_59 = arith.constant 0 : i32
    %dma_wait3A_60 = tpu.memref_slice %arg2[%dma_wait3A_58, %dma_wait3A_59] : memref<1001x1152xf32, #tpu.memory_space<hbm>> -> memref<1001x1152xf32, #tpu.memory_space<hbm>>
    tpu.wait_indirect_dma semaphore(%arg11 : memref<!tpu.dma_semaphore, #tpu.memory_space<semaphore_mem>>) src(%dma_wait3A_60 : memref<1001x1152xf32, #tpu.memory_space<hbm>>) dst(%arg8 : memref<32x1152xf32, #tpu.memory_space<vmem>>)
    %add3A_61 = arith.constant 64 : i32
    %add3A_62 = arith.addi %mul3A_2, %add3A_61 : i32
    %dma_start3A_63 = arith.constant 0 : i32
    %dma_start3A_64 = tpu.memref_slice %arg4[%add3A_62, %dma_start3A_63] : memref<16384x1152xf32, #tpu.memory_space<hbm>> -> memref<32x1152xf32, #tpu.memory_space<hbm>>
    %dma_start3A_65 = arith.constant 0 : i32
    %dma_start3A_66 = tpu.memref_slice %arg4[%add3A_62, %dma_start3A_65] : memref<16384x1152xf32, #tpu.memory_space<hbm>> -> memref<32x1152xf32, #tpu.memory_space<hbm>>
    tpu.enqueue_dma source(%arg8 : memref<32x1152xf32, #tpu.memory_space<vmem>>) target(%dma_start3A_66 : memref<32x1152xf32, #tpu.memory_space<hbm>>) target_semaphore(%arg14 : memref<!tpu.dma_semaphore, #tpu.memory_space<semaphore_mem>>)
    %dma_wait3A_67 = arith.constant 0 : i32
    %dma_wait3A_68 = tpu.memref_slice %arg4[%add3A_62, %dma_wait3A_67] : memref<16384x1152xf32, #tpu.memory_space<hbm>> -> memref<32x1152xf32, #tpu.memory_space<hbm>>
    %dma_wait3A_69 = arith.constant 0 : i32
    %dma_wait3A_70 = tpu.memref_slice %arg4[%add3A_62, %dma_wait3A_69] : memref<16384x1152xf32, #tpu.memory_space<hbm>> -> memref<32x1152xf32, #tpu.memory_space<hbm>>
    tpu.wait_dma2 semaphore(%arg14 : memref<!tpu.dma_semaphore, #tpu.memory_space<semaphore_mem>>) src(%arg8 : memref<32x1152xf32, #tpu.memory_space<vmem>>) dst(%dma_wait3A_70 : memref<32x1152xf32, #tpu.memory_space<hbm>>)
    %dma_start3A_71 = arith.constant 160 : i32
    %dma_start3A_72 = tpu.memref_slice %arg5[%dma_start3A_71] : memref<512xi32, #tpu.memory_space<vmem>> -> memref<32xi32, #tpu.memory_space<vmem>>
    %dma_start3A_73 = arith.constant 0 : i32
    %dma_start3A_74 = arith.constant 0 : i32
    %dma_start3A_75 = tpu.memref_slice %arg2[%dma_start3A_73, %dma_start3A_74] : memref<1001x1152xf32, #tpu.memory_space<hbm>> -> memref<1001x1152xf32, #tpu.memory_space<hbm>>
    tpu.enqueue_indirect_dma source(%dma_start3A_75 : memref<1001x1152xf32, #tpu.memory_space<hbm>>) target(%arg8 : memref<32x1152xf32, #tpu.memory_space<vmem>>) offsets(%dma_start3A_72 : memref<32xi32, #tpu.memory_space<vmem>>) semaphore(%arg11 : memref<!tpu.dma_semaphore, #tpu.memory_space<semaphore_mem>>)
    %dma_wait3A_76 = arith.constant 96 : i32
    %dma_wait3A_77 = tpu.memref_slice %arg5[%dma_wait3A_76] : memref<512xi32, #tpu.memory_space<vmem>> -> memref<32xi32, #tpu.memory_space<vmem>>
    %dma_wait3A_78 = arith.constant 0 : i32
    %dma_wait3A_79 = arith.constant 0 : i32
    %dma_wait3A_80 = tpu.memref_slice %arg2[%dma_wait3A_78, %dma_wait3A_79] : memref<1001x1152xf32, #tpu.memory_space<hbm>> -> memref<1001x1152xf32, #tpu.memory_space<hbm>>
    tpu.wait_indirect_dma semaphore(%arg9 : memref<!tpu.dma_semaphore, #tpu.memory_space<semaphore_mem>>) src(%dma_wait3A_80 : memref<1001x1152xf32, #tpu.memory_space<hbm>>) dst(%arg6 : memref<32x1152xf32, #tpu.memory_space<vmem>>)
    %add3A_81 = arith.constant 96 : i32
    %add3A_82 = arith.addi %mul3A_2, %add3A_81 : i32
    %dma_start3A_83 = arith.constant 0 : i32
    %dma_start3A_84 = tpu.memref_slice %arg4[%add3A_82, %dma_start3A_83] : memref<16384x1152xf32, #tpu.memory_space<hbm>> -> memref<32x1152xf32, #tpu.memory_space<hbm>>
    %dma_start3A_85 = arith.constant 0 : i32
    %dma_start3A_86 = tpu.memref_slice %arg4[%add3A_82, %dma_start3A_85] : memref<16384x1152xf32, #tpu.memory_space<hbm>> -> memref<32x1152xf32, #tpu.memory_space<hbm>>
    tpu.enqueue_dma source(%arg6 : memref<32x1152xf32, #tpu.memory_space<vmem>>) target(%dma_start3A_86 : memref<32x1152xf32, #tpu.memory_space<hbm>>) target_semaphore(%arg12 : memref<!tpu.dma_semaphore, #tpu.memory_space<semaphore_mem>>)
    %dma_wait3A_87 = arith.constant 0 : i32
    %dma_wait3A_88 = tpu.memref_slice %arg4[%add3A_82, %dma_wait3A_87] : memref<16384x1152xf32, #tpu.memory_space<hbm>> -> memref<32x1152xf32, #tpu.memory_space<hbm>>
    %dma_wait3A_89 = arith.constant 0 : i32
    %dma_wait3A_90 = tpu.memref_slice %arg4[%add3A_82, %dma_wait3A_89] : memref<16384x1152xf32, #tpu.memory_space<hbm>> -> memref<32x1152xf32, #tpu.memory_space<hbm>>
    tpu.wait_dma2 semaphore(%arg12 : memref<!tpu.dma_semaphore, #tpu.memory_space<semaphore_mem>>) src(%arg6 : memref<32x1152xf32, #tpu.memory_space<vmem>>) dst(%dma_wait3A_90 : memref<32x1152xf32, #tpu.memory_space<hbm>>)
    %dma_start3A_91 = arith.constant 192 : i32
    %dma_start3A_92 = tpu.memref_slice %arg5[%dma_start3A_91] : memref<512xi32, #tpu.memory_space<vmem>> -> memref<32xi32, #tpu.memory_space<vmem>>
    %dma_start3A_93 = arith.constant 0 : i32
    %dma_start3A_94 = arith.constant 0 : i32
    %dma_start3A_95 = tpu.memref_slice %arg2[%dma_start3A_93, %dma_start3A_94] : memref<1001x1152xf32, #tpu.memory_space<hbm>> -> memref<1001x1152xf32, #tpu.memory_space<hbm>>
    tpu.enqueue_indirect_dma source(%dma_start3A_95 : memref<1001x1152xf32, #tpu.memory_space<hbm>>) target(%arg6 : memref<32x1152xf32, #tpu.memory_space<vmem>>) offsets(%dma_start3A_92 : memref<32xi32, #tpu.memory_space<vmem>>) semaphore(%arg9 : memref<!tpu.dma_semaphore, #tpu.memory_space<semaphore_mem>>)
    %dma_wait3A_96 = arith.constant 128 : i32
    %dma_wait3A_97 = tpu.memref_slice %arg5[%dma_wait3A_96] : memref<512xi32, #tpu.memory_space<vmem>> -> memref<32xi32, #tpu.memory_space<vmem>>
    %dma_wait3A_98 = arith.constant 0 : i32
    %dma_wait3A_99 = arith.constant 0 : i32
    %dma_wait3A_100 = tpu.memref_slice %arg2[%dma_wait3A_98, %dma_wait3A_99] : memref<1001x1152xf32, #tpu.memory_space<hbm>> -> memref<1001x1152xf32, #tpu.memory_space<hbm>>
    tpu.wait_indirect_dma semaphore(%arg10 : memref<!tpu.dma_semaphore, #tpu.memory_space<semaphore_mem>>) src(%dma_wait3A_100 : memref<1001x1152xf32, #tpu.memory_space<hbm>>) dst(%arg7 : memref<32x1152xf32, #tpu.memory_space<vmem>>)
    %add3A_101 = arith.constant 128 : i32
    %add3A_102 = arith.addi %mul3A_2, %add3A_101 : i32
    %dma_start3A_103 = arith.constant 0 : i32
    %dma_start3A_104 = tpu.memref_slice %arg4[%add3A_102, %dma_start3A_103] : memref<16384x1152xf32, #tpu.memory_space<hbm>> -> memref<32x1152xf32, #tpu.memory_space<hbm>>
    %dma_start3A_105 = arith.constant 0 : i32
    %dma_start3A_106 = tpu.memref_slice %arg4[%add3A_102, %dma_start3A_105] : memref<16384x1152xf32, #tpu.memory_space<hbm>> -> memref<32x1152xf32, #tpu.memory_space<hbm>>
    tpu.enqueue_dma source(%arg7 : memref<32x1152xf32, #tpu.memory_space<vmem>>) target(%dma_start3A_106 : memref<32x1152xf32, #tpu.memory_space<hbm>>) target_semaphore(%arg13 : memref<!tpu.dma_semaphore, #tpu.memory_space<semaphore_mem>>)
    %dma_wait3A_107 = arith.constant 0 : i32
    %dma_wait3A_108 = tpu.memref_slice %arg4[%add3A_102, %dma_wait3A_107] : memref<16384x1152xf32, #tpu.memory_space<hbm>> -> memref<32x1152xf32, #tpu.memory_space<hbm>>
    %dma_wait3A_109 = arith.constant 0 : i32
    %dma_wait3A_110 = tpu.memref_slice %arg4[%add3A_102, %dma_wait3A_109] : memref<16384x1152xf32, #tpu.memory_space<hbm>> -> memref<32x1152xf32, #tpu.memory_space<hbm>>
    tpu.wait_dma2 semaphore(%arg13 : memref<!tpu.dma_semaphore, #tpu.memory_space<semaphore_mem>>) src(%arg7 : memref<32x1152xf32, #tpu.memory_space<vmem>>) dst(%dma_wait3A_110 : memref<32x1152xf32, #tpu.memory_space<hbm>>)
    %dma_start3A_111 = arith.constant 224 : i32
    %dma_start3A_112 = tpu.memref_slice %arg5[%dma_start3A_111] : memref<512xi32, #tpu.memory_space<vmem>> -> memref<32xi32, #tpu.memory_space<vmem>>
    %dma_start3A_113 = arith.constant 0 : i32
    %dma_start3A_114 = arith.constant 0 : i32
    %dma_start3A_115 = tpu.memref_slice %arg2[%dma_start3A_113, %dma_start3A_114] : memref<1001x1152xf32, #tpu.memory_space<hbm>> -> memref<1001x1152xf32, #tpu.memory_space<hbm>>
    tpu.enqueue_indirect_dma source(%dma_start3A_115 : memref<1001x1152xf32, #tpu.memory_space<hbm>>) target(%arg7 : memref<32x1152xf32, #tpu.memory_space<vmem>>) offsets(%dma_start3A_112 : memref<32xi32, #tpu.memory_space<vmem>>) semaphore(%arg10 : memref<!tpu.dma_semaphore, #tpu.memory_space<semaphore_mem>>)
    %dma_wait3A_116 = arith.constant 160 : i32
    %dma_wait3A_117 = tpu.memref_slice %arg5[%dma_wait3A_116] : memref<512xi32, #tpu.memory_space<vmem>> -> memref<32xi32, #tpu.memory_space<vmem>>
    %dma_wait3A_118 = arith.constant 0 : i32
    %dma_wait3A_119 = arith.constant 0 : i32
    %dma_wait3A_120 = tpu.memref_slice %arg2[%dma_wait3A_118, %dma_wait3A_119] : memref<1001x1152xf32, #tpu.memory_space<hbm>> -> memref<1001x1152xf32, #tpu.memory_space<hbm>>
    tpu.wait_indirect_dma semaphore(%arg11 : memref<!tpu.dma_semaphore, #tpu.memory_space<semaphore_mem>>) src(%dma_wait3A_120 : memref<1001x1152xf32, #tpu.memory_space<hbm>>) dst(%arg8 : memref<32x1152xf32, #tpu.memory_space<vmem>>)
    %add3A_121 = arith.constant 160 : i32
    %add3A_122 = arith.addi %mul3A_2, %add3A_121 : i32
    %dma_start3A_123 = arith.constant 0 : i32
    %dma_start3A_124 = tpu.memref_slice %arg4[%add3A_122, %dma_start3A_123] : memref<16384x1152xf32, #tpu.memory_space<hbm>> -> memref<32x1152xf32, #tpu.memory_space<hbm>>
    %dma_start3A_125 = arith.constant 0 : i32
    %dma_start3A_126 = tpu.memref_slice %arg4[%add3A_122, %dma_start3A_125] : memref<16384x1152xf32, #tpu.memory_space<hbm>> -> memref<32x1152xf32, #tpu.memory_space<hbm>>
    tpu.enqueue_dma source(%arg8 : memref<32x1152xf32, #tpu.memory_space<vmem>>) target(%dma_start3A_126 : memref<32x1152xf32, #tpu.memory_space<hbm>>) target_semaphore(%arg14 : memref<!tpu.dma_semaphore, #tpu.memory_space<semaphore_mem>>)
    %dma_wait3A_127 = arith.constant 0 : i32
    %dma_wait3A_128 = tpu.memref_slice %arg4[%add3A_122, %dma_wait3A_127] : memref<16384x1152xf32, #tpu.memory_space<hbm>> -> memref<32x1152xf32, #tpu.memory_space<hbm>>
    %dma_wait3A_129 = arith.constant 0 : i32
    %dma_wait3A_130 = tpu.memref_slice %arg4[%add3A_122, %dma_wait3A_129] : memref<16384x1152xf32, #tpu.memory_space<hbm>> -> memref<32x1152xf32, #tpu.memory_space<hbm>>
    tpu.wait_dma2 semaphore(%arg14 : memref<!tpu.dma_semaphore, #tpu.memory_space<semaphore_mem>>) src(%arg8 : memref<32x1152xf32, #tpu.memory_space<vmem>>) dst(%dma_wait3A_130 : memref<32x1152xf32, #tpu.memory_space<hbm>>)
    %dma_start3A_131 = arith.constant 256 : i32
    %dma_start3A_132 = tpu.memref_slice %arg5[%dma_start3A_131] : memref<512xi32, #tpu.memory_space<vmem>> -> memref<32xi32, #tpu.memory_space<vmem>>
    %dma_start3A_133 = arith.constant 0 : i32
    %dma_start3A_134 = arith.constant 0 : i32
    %dma_start3A_135 = tpu.memref_slice %arg2[%dma_start3A_133, %dma_start3A_134] : memref<1001x1152xf32, #tpu.memory_space<hbm>> -> memref<1001x1152xf32, #tpu.memory_space<hbm>>
    tpu.enqueue_indirect_dma source(%dma_start3A_135 : memref<1001x1152xf32, #tpu.memory_space<hbm>>) target(%arg8 : memref<32x1152xf32, #tpu.memory_space<vmem>>) offsets(%dma_start3A_132 : memref<32xi32, #tpu.memory_space<vmem>>) semaphore(%arg11 : memref<!tpu.dma_semaphore, #tpu.memory_space<semaphore_mem>>)
    %dma_wait3A_136 = arith.constant 192 : i32
    %dma_wait3A_137 = tpu.memref_slice %arg5[%dma_wait3A_136] : memref<512xi32, #tpu.memory_space<vmem>> -> memref<32xi32, #tpu.memory_space<vmem>>
    %dma_wait3A_138 = arith.constant 0 : i32
    %dma_wait3A_139 = arith.constant 0 : i32
    %dma_wait3A_140 = tpu.memref_slice %arg2[%dma_wait3A_138, %dma_wait3A_139] : memref<1001x1152xf32, #tpu.memory_space<hbm>> -> memref<1001x1152xf32, #tpu.memory_space<hbm>>
    tpu.wait_indirect_dma semaphore(%arg9 : memref<!tpu.dma_semaphore, #tpu.memory_space<semaphore_mem>>) src(%dma_wait3A_140 : memref<1001x1152xf32, #tpu.memory_space<hbm>>) dst(%arg6 : memref<32x1152xf32, #tpu.memory_space<vmem>>)
    %add3A_141 = arith.constant 192 : i32
    %add3A_142 = arith.addi %mul3A_2, %add3A_141 : i32
    %dma_start3A_143 = arith.constant 0 : i32
    %dma_start3A_144 = tpu.memref_slice %arg4[%add3A_142, %dma_start3A_143] : memref<16384x1152xf32, #tpu.memory_space<hbm>> -> memref<32x1152xf32, #tpu.memory_space<hbm>>
    %dma_start3A_145 = arith.constant 0 : i32
    %dma_start3A_146 = tpu.memref_slice %arg4[%add3A_142, %dma_start3A_145] : memref<16384x1152xf32, #tpu.memory_space<hbm>> -> memref<32x1152xf32, #tpu.memory_space<hbm>>
    tpu.enqueue_dma source(%arg6 : memref<32x1152xf32, #tpu.memory_space<vmem>>) target(%dma_start3A_146 : memref<32x1152xf32, #tpu.memory_space<hbm>>) target_semaphore(%arg12 : memref<!tpu.dma_semaphore, #tpu.memory_space<semaphore_mem>>)
    %dma_wait3A_147 = arith.constant 0 : i32
    %dma_wait3A_148 = tpu.memref_slice %arg4[%add3A_142, %dma_wait3A_147] : memref<16384x1152xf32, #tpu.memory_space<hbm>> -> memref<32x1152xf32, #tpu.memory_space<hbm>>
    %dma_wait3A_149 = arith.constant 0 : i32
    %dma_wait3A_150 = tpu.memref_slice %arg4[%add3A_142, %dma_wait3A_149] : memref<16384x1152xf32, #tpu.memory_space<hbm>> -> memref<32x1152xf32, #tpu.memory_space<hbm>>
    tpu.wait_dma2 semaphore(%arg12 : memref<!tpu.dma_semaphore, #tpu.memory_space<semaphore_mem>>) src(%arg6 : memref<32x1152xf32, #tpu.memory_space<vmem>>) dst(%dma_wait3A_150 : memref<32x1152xf32, #tpu.memory_space<hbm>>)
    %dma_start3A_151 = arith.constant 288 : i32
    %dma_start3A_152 = tpu.memref_slice %arg5[%dma_start3A_151] : memref<512xi32, #tpu.memory_space<vmem>> -> memref<32xi32, #tpu.memory_space<vmem>>
    %dma_start3A_153 = arith.constant 0 : i32
    %dma_start3A_154 = arith.constant 0 : i32
    %dma_start3A_155 = tpu.memref_slice %arg2[%dma_start3A_153, %dma_start3A_154] : memref<1001x1152xf32, #tpu.memory_space<hbm>> -> memref<1001x1152xf32, #tpu.memory_space<hbm>>
    tpu.enqueue_indirect_dma source(%dma_start3A_155 : memref<1001x1152xf32, #tpu.memory_space<hbm>>) target(%arg6 : memref<32x1152xf32, #tpu.memory_space<vmem>>) offsets(%dma_start3A_152 : memref<32xi32, #tpu.memory_space<vmem>>) semaphore(%arg9 : memref<!tpu.dma_semaphore, #tpu.memory_space<semaphore_mem>>)
    %dma_wait3A_156 = arith.constant 224 : i32
    %dma_wait3A_157 = tpu.memref_slice %arg5[%dma_wait3A_156] : memref<512xi32, #tpu.memory_space<vmem>> -> memref<32xi32, #tpu.memory_space<vmem>>
    %dma_wait3A_158 = arith.constant 0 : i32
    %dma_wait3A_159 = arith.constant 0 : i32
    %dma_wait3A_160 = tpu.memref_slice %arg2[%dma_wait3A_158, %dma_wait3A_159] : memref<1001x1152xf32, #tpu.memory_space<hbm>> -> memref<1001x1152xf32, #tpu.memory_space<hbm>>
    tpu.wait_indirect_dma semaphore(%arg10 : memref<!tpu.dma_semaphore, #tpu.memory_space<semaphore_mem>>) src(%dma_wait3A_160 : memref<1001x1152xf32, #tpu.memory_space<hbm>>) dst(%arg7 : memref<32x1152xf32, #tpu.memory_space<vmem>>)
    %add3A_161 = arith.constant 224 : i32
    %add3A_162 = arith.addi %mul3A_2, %add3A_161 : i32
    %dma_start3A_163 = arith.constant 0 : i32
    %dma_start3A_164 = tpu.memref_slice %arg4[%add3A_162, %dma_start3A_163] : memref<16384x1152xf32, #tpu.memory_space<hbm>> -> memref<32x1152xf32, #tpu.memory_space<hbm>>
    %dma_start3A_165 = arith.constant 0 : i32
    %dma_start3A_166 = tpu.memref_slice %arg4[%add3A_162, %dma_start3A_165] : memref<16384x1152xf32, #tpu.memory_space<hbm>> -> memref<32x1152xf32, #tpu.memory_space<hbm>>
    tpu.enqueue_dma source(%arg7 : memref<32x1152xf32, #tpu.memory_space<vmem>>) target(%dma_start3A_166 : memref<32x1152xf32, #tpu.memory_space<hbm>>) target_semaphore(%arg13 : memref<!tpu.dma_semaphore, #tpu.memory_space<semaphore_mem>>)
    %dma_wait3A_167 = arith.constant 0 : i32
    %dma_wait3A_168 = tpu.memref_slice %arg4[%add3A_162, %dma_wait3A_167] : memref<16384x1152xf32, #tpu.memory_space<hbm>> -> memref<32x1152xf32, #tpu.memory_space<hbm>>
    %dma_wait3A_169 = arith.constant 0 : i32
    %dma_wait3A_170 = tpu.memref_slice %arg4[%add3A_162, %dma_wait3A_169] : memref<16384x1152xf32, #tpu.memory_space<hbm>> -> memref<32x1152xf32, #tpu.memory_space<hbm>>
    tpu.wait_dma2 semaphore(%arg13 : memref<!tpu.dma_semaphore, #tpu.memory_space<semaphore_mem>>) src(%arg7 : memref<32x1152xf32, #tpu.memory_space<vmem>>) dst(%dma_wait3A_170 : memref<32x1152xf32, #tpu.memory_space<hbm>>)
    %dma_start3A_171 = arith.constant 320 : i32
    %dma_start3A_172 = tpu.memref_slice %arg5[%dma_start3A_171] : memref<512xi32, #tpu.memory_space<vmem>> -> memref<32xi32, #tpu.memory_space<vmem>>
    %dma_start3A_173 = arith.constant 0 : i32
    %dma_start3A_174 = arith.constant 0 : i32
    %dma_start3A_175 = tpu.memref_slice %arg2[%dma_start3A_173, %dma_start3A_174] : memref<1001x1152xf32, #tpu.memory_space<hbm>> -> memref<1001x1152xf32, #tpu.memory_space<hbm>>
    tpu.enqueue_indirect_dma source(%dma_start3A_175 : memref<1001x1152xf32, #tpu.memory_space<hbm>>) target(%arg7 : memref<32x1152xf32, #tpu.memory_space<vmem>>) offsets(%dma_start3A_172 : memref<32xi32, #tpu.memory_space<vmem>>) semaphore(%arg10 : memref<!tpu.dma_semaphore, #tpu.memory_space<semaphore_mem>>)
    %dma_wait3A_176 = arith.constant 256 : i32
    %dma_wait3A_177 = tpu.memref_slice %arg5[%dma_wait3A_176] : memref<512xi32, #tpu.memory_space<vmem>> -> memref<32xi32, #tpu.memory_space<vmem>>
    %dma_wait3A_178 = arith.constant 0 : i32
    %dma_wait3A_179 = arith.constant 0 : i32
    %dma_wait3A_180 = tpu.memref_slice %arg2[%dma_wait3A_178, %dma_wait3A_179] : memref<1001x1152xf32, #tpu.memory_space<hbm>> -> memref<1001x1152xf32, #tpu.memory_space<hbm>>
    tpu.wait_indirect_dma semaphore(%arg11 : memref<!tpu.dma_semaphore, #tpu.memory_space<semaphore_mem>>) src(%dma_wait3A_180 : memref<1001x1152xf32, #tpu.memory_space<hbm>>) dst(%arg8 : memref<32x1152xf32, #tpu.memory_space<vmem>>)
    %add3A_181 = arith.constant 256 : i32
    %add3A_182 = arith.addi %mul3A_2, %add3A_181 : i32
    %dma_start3A_183 = arith.constant 0 : i32
    %dma_start3A_184 = tpu.memref_slice %arg4[%add3A_182, %dma_start3A_183] : memref<16384x1152xf32, #tpu.memory_space<hbm>> -> memref<32x1152xf32, #tpu.memory_space<hbm>>
    %dma_start3A_185 = arith.constant 0 : i32
    %dma_start3A_186 = tpu.memref_slice %arg4[%add3A_182, %dma_start3A_185] : memref<16384x1152xf32, #tpu.memory_space<hbm>> -> memref<32x1152xf32, #tpu.memory_space<hbm>>
    tpu.enqueue_dma source(%arg8 : memref<32x1152xf32, #tpu.memory_space<vmem>>) target(%dma_start3A_186 : memref<32x1152xf32, #tpu.memory_space<hbm>>) target_semaphore(%arg14 : memref<!tpu.dma_semaphore, #tpu.memory_space<semaphore_mem>>)
    %dma_wait3A_187 = arith.constant 0 : i32
    %dma_wait3A_188 = tpu.memref_slice %arg4[%add3A_182, %dma_wait3A_187] : memref<16384x1152xf32, #tpu.memory_space<hbm>> -> memref<32x1152xf32, #tpu.memory_space<hbm>>
    %dma_wait3A_189 = arith.constant 0 : i32
    %dma_wait3A_190 = tpu.memref_slice %arg4[%add3A_182, %dma_wait3A_189] : memref<16384x1152xf32, #tpu.memory_space<hbm>> -> memref<32x1152xf32, #tpu.memory_space<hbm>>
    tpu.wait_dma2 semaphore(%arg14 : memref<!tpu.dma_semaphore, #tpu.memory_space<semaphore_mem>>) src(%arg8 : memref<32x1152xf32, #tpu.memory_space<vmem>>) dst(%dma_wait3A_190 : memref<32x1152xf32, #tpu.memory_space<hbm>>)
    %dma_start3A_191 = arith.constant 352 : i32
    %dma_start3A_192 = tpu.memref_slice %arg5[%dma_start3A_191] : memref<512xi32, #tpu.memory_space<vmem>> -> memref<32xi32, #tpu.memory_space<vmem>>
    %dma_start3A_193 = arith.constant 0 : i32
    %dma_start3A_194 = arith.constant 0 : i32
    %dma_start3A_195 = tpu.memref_slice %arg2[%dma_start3A_193, %dma_start3A_194] : memref<1001x1152xf32, #tpu.memory_space<hbm>> -> memref<1001x1152xf32, #tpu.memory_space<hbm>>
    tpu.enqueue_indirect_dma source(%dma_start3A_195 : memref<1001x1152xf32, #tpu.memory_space<hbm>>) target(%arg8 : memref<32x1152xf32, #tpu.memory_space<vmem>>) offsets(%dma_start3A_192 : memref<32xi32, #tpu.memory_space<vmem>>) semaphore(%arg11 : memref<!tpu.dma_semaphore, #tpu.memory_space<semaphore_mem>>)
    %dma_wait3A_196 = arith.constant 288 : i32
    %dma_wait3A_197 = tpu.memref_slice %arg5[%dma_wait3A_196] : memref<512xi32, #tpu.memory_space<vmem>> -> memref<32xi32, #tpu.memory_space<vmem>>
    %dma_wait3A_198 = arith.constant 0 : i32
    %dma_wait3A_199 = arith.constant 0 : i32
    %dma_wait3A_200 = tpu.memref_slice %arg2[%dma_wait3A_198, %dma_wait3A_199] : memref<1001x1152xf32, #tpu.memory_space<hbm>> -> memref<1001x1152xf32, #tpu.memory_space<hbm>>
    tpu.wait_indirect_dma semaphore(%arg9 : memref<!tpu.dma_semaphore, #tpu.memory_space<semaphore_mem>>) src(%dma_wait3A_200 : memref<1001x1152xf32, #tpu.memory_space<hbm>>) dst(%arg6 : memref<32x1152xf32, #tpu.memory_space<vmem>>)
    %add3A_201 = arith.constant 288 : i32
    %add3A_202 = arith.addi %mul3A_2, %add3A_201 : i32
    %dma_start3A_203 = arith.constant 0 : i32
    %dma_start3A_204 = tpu.memref_slice %arg4[%add3A_202, %dma_start3A_203] : memref<16384x1152xf32, #tpu.memory_space<hbm>> -> memref<32x1152xf32, #tpu.memory_space<hbm>>
    %dma_start3A_205 = arith.constant 0 : i32
    %dma_start3A_206 = tpu.memref_slice %arg4[%add3A_202, %dma_start3A_205] : memref<16384x1152xf32, #tpu.memory_space<hbm>> -> memref<32x1152xf32, #tpu.memory_space<hbm>>
    tpu.enqueue_dma source(%arg6 : memref<32x1152xf32, #tpu.memory_space<vmem>>) target(%dma_start3A_206 : memref<32x1152xf32, #tpu.memory_space<hbm>>) target_semaphore(%arg12 : memref<!tpu.dma_semaphore, #tpu.memory_space<semaphore_mem>>)
    %dma_wait3A_207 = arith.constant 0 : i32
    %dma_wait3A_208 = tpu.memref_slice %arg4[%add3A_202, %dma_wait3A_207] : memref<16384x1152xf32, #tpu.memory_space<hbm>> -> memref<32x1152xf32, #tpu.memory_space<hbm>>
    %dma_wait3A_209 = arith.constant 0 : i32
    %dma_wait3A_210 = tpu.memref_slice %arg4[%add3A_202, %dma_wait3A_209] : memref<16384x1152xf32, #tpu.memory_space<hbm>> -> memref<32x1152xf32, #tpu.memory_space<hbm>>
    tpu.wait_dma2 semaphore(%arg12 : memref<!tpu.dma_semaphore, #tpu.memory_space<semaphore_mem>>) src(%arg6 : memref<32x1152xf32, #tpu.memory_space<vmem>>) dst(%dma_wait3A_210 : memref<32x1152xf32, #tpu.memory_space<hbm>>)
    %dma_start3A_211 = arith.constant 384 : i32
    %dma_start3A_212 = tpu.memref_slice %arg5[%dma_start3A_211] : memref<512xi32, #tpu.memory_space<vmem>> -> memref<32xi32, #tpu.memory_space<vmem>>
    %dma_start3A_213 = arith.constant 0 : i32
    %dma_start3A_214 = arith.constant 0 : i32
    %dma_start3A_215 = tpu.memref_slice %arg2[%dma_start3A_213, %dma_start3A_214] : memref<1001x1152xf32, #tpu.memory_space<hbm>> -> memref<1001x1152xf32, #tpu.memory_space<hbm>>
    tpu.enqueue_indirect_dma source(%dma_start3A_215 : memref<1001x1152xf32, #tpu.memory_space<hbm>>) target(%arg6 : memref<32x1152xf32, #tpu.memory_space<vmem>>) offsets(%dma_start3A_212 : memref<32xi32, #tpu.memory_space<vmem>>) semaphore(%arg9 : memref<!tpu.dma_semaphore, #tpu.memory_space<semaphore_mem>>)
    %dma_wait3A_216 = arith.constant 320 : i32
    %dma_wait3A_217 = tpu.memref_slice %arg5[%dma_wait3A_216] : memref<512xi32, #tpu.memory_space<vmem>> -> memref<32xi32, #tpu.memory_space<vmem>>
    %dma_wait3A_218 = arith.constant 0 : i32
    %dma_wait3A_219 = arith.constant 0 : i32
    %dma_wait3A_220 = tpu.memref_slice %arg2[%dma_wait3A_218, %dma_wait3A_219] : memref<1001x1152xf32, #tpu.memory_space<hbm>> -> memref<1001x1152xf32, #tpu.memory_space<hbm>>
    tpu.wait_indirect_dma semaphore(%arg10 : memref<!tpu.dma_semaphore, #tpu.memory_space<semaphore_mem>>) src(%dma_wait3A_220 : memref<1001x1152xf32, #tpu.memory_space<hbm>>) dst(%arg7 : memref<32x1152xf32, #tpu.memory_space<vmem>>)
    %add3A_221 = arith.constant 320 : i32
    %add3A_222 = arith.addi %mul3A_2, %add3A_221 : i32
    %dma_start3A_223 = arith.constant 0 : i32
    %dma_start3A_224 = tpu.memref_slice %arg4[%add3A_222, %dma_start3A_223] : memref<16384x1152xf32, #tpu.memory_space<hbm>> -> memref<32x1152xf32, #tpu.memory_space<hbm>>
    %dma_start3A_225 = arith.constant 0 : i32
    %dma_start3A_226 = tpu.memref_slice %arg4[%add3A_222, %dma_start3A_225] : memref<16384x1152xf32, #tpu.memory_space<hbm>> -> memref<32x1152xf32, #tpu.memory_space<hbm>>
    tpu.enqueue_dma source(%arg7 : memref<32x1152xf32, #tpu.memory_space<vmem>>) target(%dma_start3A_226 : memref<32x1152xf32, #tpu.memory_space<hbm>>) target_semaphore(%arg13 : memref<!tpu.dma_semaphore, #tpu.memory_space<semaphore_mem>>)
    %dma_wait3A_227 = arith.constant 0 : i32
    %dma_wait3A_228 = tpu.memref_slice %arg4[%add3A_222, %dma_wait3A_227] : memref<16384x1152xf32, #tpu.memory_space<hbm>> -> memref<32x1152xf32, #tpu.memory_space<hbm>>
    %dma_wait3A_229 = arith.constant 0 : i32
    %dma_wait3A_230 = tpu.memref_slice %arg4[%add3A_222, %dma_wait3A_229] : memref<16384x1152xf32, #tpu.memory_space<hbm>> -> memref<32x1152xf32, #tpu.memory_space<hbm>>
    tpu.wait_dma2 semaphore(%arg13 : memref<!tpu.dma_semaphore, #tpu.memory_space<semaphore_mem>>) src(%arg7 : memref<32x1152xf32, #tpu.memory_space<vmem>>) dst(%dma_wait3A_230 : memref<32x1152xf32, #tpu.memory_space<hbm>>)
    %dma_start3A_231 = arith.constant 416 : i32
    %dma_start3A_232 = tpu.memref_slice %arg5[%dma_start3A_231] : memref<512xi32, #tpu.memory_space<vmem>> -> memref<32xi32, #tpu.memory_space<vmem>>
    %dma_start3A_233 = arith.constant 0 : i32
    %dma_start3A_234 = arith.constant 0 : i32
    %dma_start3A_235 = tpu.memref_slice %arg2[%dma_start3A_233, %dma_start3A_234] : memref<1001x1152xf32, #tpu.memory_space<hbm>> -> memref<1001x1152xf32, #tpu.memory_space<hbm>>
    tpu.enqueue_indirect_dma source(%dma_start3A_235 : memref<1001x1152xf32, #tpu.memory_space<hbm>>) target(%arg7 : memref<32x1152xf32, #tpu.memory_space<vmem>>) offsets(%dma_start3A_232 : memref<32xi32, #tpu.memory_space<vmem>>) semaphore(%arg10 : memref<!tpu.dma_semaphore, #tpu.memory_space<semaphore_mem>>)
    %dma_wait3A_236 = arith.constant 352 : i32
    %dma_wait3A_237 = tpu.memref_slice %arg5[%dma_wait3A_236] : memref<512xi32, #tpu.memory_space<vmem>> -> memref<32xi32, #tpu.memory_space<vmem>>
    %dma_wait3A_238 = arith.constant 0 : i32
    %dma_wait3A_239 = arith.constant 0 : i32
    %dma_wait3A_240 = tpu.memref_slice %arg2[%dma_wait3A_238, %dma_wait3A_239] : memref<1001x1152xf32, #tpu.memory_space<hbm>> -> memref<1001x1152xf32, #tpu.memory_space<hbm>>
    tpu.wait_indirect_dma semaphore(%arg11 : memref<!tpu.dma_semaphore, #tpu.memory_space<semaphore_mem>>) src(%dma_wait3A_240 : memref<1001x1152xf32, #tpu.memory_space<hbm>>) dst(%arg8 : memref<32x1152xf32, #tpu.memory_space<vmem>>)
    %add3A_241 = arith.constant 352 : i32
    %add3A_242 = arith.addi %mul3A_2, %add3A_241 : i32
    %dma_start3A_243 = arith.constant 0 : i32
    %dma_start3A_244 = tpu.memref_slice %arg4[%add3A_242, %dma_start3A_243] : memref<16384x1152xf32, #tpu.memory_space<hbm>> -> memref<32x1152xf32, #tpu.memory_space<hbm>>
    %dma_start3A_245 = arith.constant 0 : i32
    %dma_start3A_246 = tpu.memref_slice %arg4[%add3A_242, %dma_start3A_245] : memref<16384x1152xf32, #tpu.memory_space<hbm>> -> memref<32x1152xf32, #tpu.memory_space<hbm>>
    tpu.enqueue_dma source(%arg8 : memref<32x1152xf32, #tpu.memory_space<vmem>>) target(%dma_start3A_246 : memref<32x1152xf32, #tpu.memory_space<hbm>>) target_semaphore(%arg14 : memref<!tpu.dma_semaphore, #tpu.memory_space<semaphore_mem>>)
    %dma_wait3A_247 = arith.constant 0 : i32
    %dma_wait3A_248 = tpu.memref_slice %arg4[%add3A_242, %dma_wait3A_247] : memref<16384x1152xf32, #tpu.memory_space<hbm>> -> memref<32x1152xf32, #tpu.memory_space<hbm>>
    %dma_wait3A_249 = arith.constant 0 : i32
    %dma_wait3A_250 = tpu.memref_slice %arg4[%add3A_242, %dma_wait3A_249] : memref<16384x1152xf32, #tpu.memory_space<hbm>> -> memref<32x1152xf32, #tpu.memory_space<hbm>>
    tpu.wait_dma2 semaphore(%arg14 : memref<!tpu.dma_semaphore, #tpu.memory_space<semaphore_mem>>) src(%arg8 : memref<32x1152xf32, #tpu.memory_space<vmem>>) dst(%dma_wait3A_250 : memref<32x1152xf32, #tpu.memory_space<hbm>>)
    %dma_start3A_251 = arith.constant 448 : i32
    %dma_start3A_252 = tpu.memref_slice %arg5[%dma_start3A_251] : memref<512xi32, #tpu.memory_space<vmem>> -> memref<32xi32, #tpu.memory_space<vmem>>
    %dma_start3A_253 = arith.constant 0 : i32
    %dma_start3A_254 = arith.constant 0 : i32
    %dma_start3A_255 = tpu.memref_slice %arg2[%dma_start3A_253, %dma_start3A_254] : memref<1001x1152xf32, #tpu.memory_space<hbm>> -> memref<1001x1152xf32, #tpu.memory_space<hbm>>
    tpu.enqueue_indirect_dma source(%dma_start3A_255 : memref<1001x1152xf32, #tpu.memory_space<hbm>>) target(%arg8 : memref<32x1152xf32, #tpu.memory_space<vmem>>) offsets(%dma_start3A_252 : memref<32xi32, #tpu.memory_space<vmem>>) semaphore(%arg11 : memref<!tpu.dma_semaphore, #tpu.memory_space<semaphore_mem>>)
    %dma_wait3A_256 = arith.constant 384 : i32
    %dma_wait3A_257 = tpu.memref_slice %arg5[%dma_wait3A_256] : memref<512xi32, #tpu.memory_space<vmem>> -> memref<32xi32, #tpu.memory_space<vmem>>
    %dma_wait3A_258 = arith.constant 0 : i32
    %dma_wait3A_259 = arith.constant 0 : i32
    %dma_wait3A_260 = tpu.memref_slice %arg2[%dma_wait3A_258, %dma_wait3A_259] : memref<1001x1152xf32, #tpu.memory_space<hbm>> -> memref<1001x1152xf32, #tpu.memory_space<hbm>>
    tpu.wait_indirect_dma semaphore(%arg9 : memref<!tpu.dma_semaphore, #tpu.memory_space<semaphore_mem>>) src(%dma_wait3A_260 : memref<1001x1152xf32, #tpu.memory_space<hbm>>) dst(%arg6 : memref<32x1152xf32, #tpu.memory_space<vmem>>)
    %add3A_261 = arith.constant 384 : i32
    %add3A_262 = arith.addi %mul3A_2, %add3A_261 : i32
    %dma_start3A_263 = arith.constant 0 : i32
    %dma_start3A_264 = tpu.memref_slice %arg4[%add3A_262, %dma_start3A_263] : memref<16384x1152xf32, #tpu.memory_space<hbm>> -> memref<32x1152xf32, #tpu.memory_space<hbm>>
    %dma_start3A_265 = arith.constant 0 : i32
    %dma_start3A_266 = tpu.memref_slice %arg4[%add3A_262, %dma_start3A_265] : memref<16384x1152xf32, #tpu.memory_space<hbm>> -> memref<32x1152xf32, #tpu.memory_space<hbm>>
    tpu.enqueue_dma source(%arg6 : memref<32x1152xf32, #tpu.memory_space<vmem>>) target(%dma_start3A_266 : memref<32x1152xf32, #tpu.memory_space<hbm>>) target_semaphore(%arg12 : memref<!tpu.dma_semaphore, #tpu.memory_space<semaphore_mem>>)
    %dma_wait3A_267 = arith.constant 0 : i32
    %dma_wait3A_268 = tpu.memref_slice %arg4[%add3A_262, %dma_wait3A_267] : memref<16384x1152xf32, #tpu.memory_space<hbm>> -> memref<32x1152xf32, #tpu.memory_space<hbm>>
    %dma_wait3A_269 = arith.constant 0 : i32
    %dma_wait3A_270 = tpu.memref_slice %arg4[%add3A_262, %dma_wait3A_269] : memref<16384x1152xf32, #tpu.memory_space<hbm>> -> memref<32x1152xf32, #tpu.memory_space<hbm>>
    tpu.wait_dma2 semaphore(%arg12 : memref<!tpu.dma_semaphore, #tpu.memory_space<semaphore_mem>>) src(%arg6 : memref<32x1152xf32, #tpu.memory_space<vmem>>) dst(%dma_wait3A_270 : memref<32x1152xf32, #tpu.memory_space<hbm>>)
    %dma_start3A_271 = arith.constant 480 : i32
    %dma_start3A_272 = tpu.memref_slice %arg5[%dma_start3A_271] : memref<512xi32, #tpu.memory_space<vmem>> -> memref<32xi32, #tpu.memory_space<vmem>>
    %dma_start3A_273 = arith.constant 0 : i32
    %dma_start3A_274 = arith.constant 0 : i32
    %dma_start3A_275 = tpu.memref_slice %arg2[%dma_start3A_273, %dma_start3A_274] : memref<1001x1152xf32, #tpu.memory_space<hbm>> -> memref<1001x1152xf32, #tpu.memory_space<hbm>>
    tpu.enqueue_indirect_dma source(%dma_start3A_275 : memref<1001x1152xf32, #tpu.memory_space<hbm>>) target(%arg6 : memref<32x1152xf32, #tpu.memory_space<vmem>>) offsets(%dma_start3A_272 : memref<32xi32, #tpu.memory_space<vmem>>) semaphore(%arg9 : memref<!tpu.dma_semaphore, #tpu.memory_space<semaphore_mem>>)
    %dma_wait3A_276 = arith.constant 416 : i32
    %dma_wait3A_277 = tpu.memref_slice %arg5[%dma_wait3A_276] : memref<512xi32, #tpu.memory_space<vmem>> -> memref<32xi32, #tpu.memory_space<vmem>>
    %dma_wait3A_278 = arith.constant 0 : i32
    %dma_wait3A_279 = arith.constant 0 : i32
    %dma_wait3A_280 = tpu.memref_slice %arg2[%dma_wait3A_278, %dma_wait3A_279] : memref<1001x1152xf32, #tpu.memory_space<hbm>> -> memref<1001x1152xf32, #tpu.memory_space<hbm>>
    tpu.wait_indirect_dma semaphore(%arg10 : memref<!tpu.dma_semaphore, #tpu.memory_space<semaphore_mem>>) src(%dma_wait3A_280 : memref<1001x1152xf32, #tpu.memory_space<hbm>>) dst(%arg7 : memref<32x1152xf32, #tpu.memory_space<vmem>>)
    %add3A_281 = arith.constant 416 : i32
    %add3A_282 = arith.addi %mul3A_2, %add3A_281 : i32
    %dma_start3A_283 = arith.constant 0 : i32
    %dma_start3A_284 = tpu.memref_slice %arg4[%add3A_282, %dma_start3A_283] : memref<16384x1152xf32, #tpu.memory_space<hbm>> -> memref<32x1152xf32, #tpu.memory_space<hbm>>
    %dma_start3A_285 = arith.constant 0 : i32
    %dma_start3A_286 = tpu.memref_slice %arg4[%add3A_282, %dma_start3A_285] : memref<16384x1152xf32, #tpu.memory_space<hbm>> -> memref<32x1152xf32, #tpu.memory_space<hbm>>
    tpu.enqueue_dma source(%arg7 : memref<32x1152xf32, #tpu.memory_space<vmem>>) target(%dma_start3A_286 : memref<32x1152xf32, #tpu.memory_space<hbm>>) target_semaphore(%arg13 : memref<!tpu.dma_semaphore, #tpu.memory_space<semaphore_mem>>)
    %dma_wait3A_287 = arith.constant 448 : i32
    %dma_wait3A_288 = tpu.memref_slice %arg5[%dma_wait3A_287] : memref<512xi32, #tpu.memory_space<vmem>> -> memref<32xi32, #tpu.memory_space<vmem>>
    %dma_wait3A_289 = arith.constant 0 : i32
    %dma_wait3A_290 = arith.constant 0 : i32
    %dma_wait3A_291 = tpu.memref_slice %arg2[%dma_wait3A_289, %dma_wait3A_290] : memref<1001x1152xf32, #tpu.memory_space<hbm>> -> memref<1001x1152xf32, #tpu.memory_space<hbm>>
    tpu.wait_indirect_dma semaphore(%arg11 : memref<!tpu.dma_semaphore, #tpu.memory_space<semaphore_mem>>) src(%dma_wait3A_291 : memref<1001x1152xf32, #tpu.memory_space<hbm>>) dst(%arg8 : memref<32x1152xf32, #tpu.memory_space<vmem>>)
    %add3A_292 = arith.constant 448 : i32
    %add3A_293 = arith.addi %mul3A_2, %add3A_292 : i32
    %dma_start3A_294 = arith.constant 0 : i32
    %dma_start3A_295 = tpu.memref_slice %arg4[%add3A_293, %dma_start3A_294] : memref<16384x1152xf32, #tpu.memory_space<hbm>> -> memref<32x1152xf32, #tpu.memory_space<hbm>>
    %dma_start3A_296 = arith.constant 0 : i32
    %dma_start3A_297 = tpu.memref_slice %arg4[%add3A_293, %dma_start3A_296] : memref<16384x1152xf32, #tpu.memory_space<hbm>> -> memref<32x1152xf32, #tpu.memory_space<hbm>>
    tpu.enqueue_dma source(%arg8 : memref<32x1152xf32, #tpu.memory_space<vmem>>) target(%dma_start3A_297 : memref<32x1152xf32, #tpu.memory_space<hbm>>) target_semaphore(%arg14 : memref<!tpu.dma_semaphore, #tpu.memory_space<semaphore_mem>>)
    %dma_wait3A_298 = arith.constant 480 : i32
    %dma_wait3A_299 = tpu.memref_slice %arg5[%dma_wait3A_298] : memref<512xi32, #tpu.memory_space<vmem>> -> memref<32xi32, #tpu.memory_space<vmem>>
    %dma_wait3A_300 = arith.constant 0 : i32
    %dma_wait3A_301 = arith.constant 0 : i32
    %dma_wait3A_302 = tpu.memref_slice %arg2[%dma_wait3A_300, %dma_wait3A_301] : memref<1001x1152xf32, #tpu.memory_space<hbm>> -> memref<1001x1152xf32, #tpu.memory_space<hbm>>
    tpu.wait_indirect_dma semaphore(%arg9 : memref<!tpu.dma_semaphore, #tpu.memory_space<semaphore_mem>>) src(%dma_wait3A_302 : memref<1001x1152xf32, #tpu.memory_space<hbm>>) dst(%arg6 : memref<32x1152xf32, #tpu.memory_space<vmem>>)
    %add3A_303 = arith.constant 480 : i32
    %add3A_304 = arith.addi %mul3A_2, %add3A_303 : i32
    %dma_start3A_305 = arith.constant 0 : i32
    %dma_start3A_306 = tpu.memref_slice %arg4[%add3A_304, %dma_start3A_305] : memref<16384x1152xf32, #tpu.memory_space<hbm>> -> memref<32x1152xf32, #tpu.memory_space<hbm>>
    %dma_start3A_307 = arith.constant 0 : i32
    %dma_start3A_308 = tpu.memref_slice %arg4[%add3A_304, %dma_start3A_307] : memref<16384x1152xf32, #tpu.memory_space<hbm>> -> memref<32x1152xf32, #tpu.memory_space<hbm>>
    tpu.enqueue_dma source(%arg6 : memref<32x1152xf32, #tpu.memory_space<vmem>>) target(%dma_start3A_308 : memref<32x1152xf32, #tpu.memory_space<hbm>>) target_semaphore(%arg12 : memref<!tpu.dma_semaphore, #tpu.memory_space<semaphore_mem>>)
    %dma_wait3A_309 = arith.constant 0 : i32
    %dma_wait3A_310 = tpu.memref_slice %arg4[%add3A_282, %dma_wait3A_309] : memref<16384x1152xf32, #tpu.memory_space<hbm>> -> memref<32x1152xf32, #tpu.memory_space<hbm>>
    %dma_wait3A_311 = arith.constant 0 : i32
    %dma_wait3A_312 = tpu.memref_slice %arg4[%add3A_282, %dma_wait3A_311] : memref<16384x1152xf32, #tpu.memory_space<hbm>> -> memref<32x1152xf32, #tpu.memory_space<hbm>>
    tpu.wait_dma2 semaphore(%arg13 : memref<!tpu.dma_semaphore, #tpu.memory_space<semaphore_mem>>) src(%arg7 : memref<32x1152xf32, #tpu.memory_space<vmem>>) dst(%dma_wait3A_312 : memref<32x1152xf32, #tpu.memory_space<hbm>>)
    %dma_wait3A_313 = arith.constant 0 : i32
    %dma_wait3A_314 = tpu.memref_slice %arg4[%add3A_293, %dma_wait3A_313] : memref<16384x1152xf32, #tpu.memory_space<hbm>> -> memref<32x1152xf32, #tpu.memory_space<hbm>>
    %dma_wait3A_315 = arith.constant 0 : i32
    %dma_wait3A_316 = tpu.memref_slice %arg4[%add3A_293, %dma_wait3A_315] : memref<16384x1152xf32, #tpu.memory_space<hbm>> -> memref<32x1152xf32, #tpu.memory_space<hbm>>
    tpu.wait_dma2 semaphore(%arg14 : memref<!tpu.dma_semaphore, #tpu.memory_space<semaphore_mem>>) src(%arg8 : memref<32x1152xf32, #tpu.memory_space<vmem>>) dst(%dma_wait3A_316 : memref<32x1152xf32, #tpu.memory_space<hbm>>)
    %dma_wait3A_317 = arith.constant 0 : i32
    %dma_wait3A_318 = tpu.memref_slice %arg4[%add3A_304, %dma_wait3A_317] : memref<16384x1152xf32, #tpu.memory_space<hbm>> -> memref<32x1152xf32, #tpu.memory_space<hbm>>
    %dma_wait3A_319 = arith.constant 0 : i32
    %dma_wait3A_320 = tpu.memref_slice %arg4[%add3A_304, %dma_wait3A_319] : memref<16384x1152xf32, #tpu.memory_space<hbm>> -> memref<32x1152xf32, #tpu.memory_space<hbm>>
    tpu.wait_dma2 semaphore(%arg12 : memref<!tpu.dma_semaphore, #tpu.memory_space<semaphore_mem>>) src(%arg6 : memref<32x1152xf32, #tpu.memory_space<vmem>>) dst(%dma_wait3A_320 : memref<32x1152xf32, #tpu.memory_space<hbm>>)
    return
  }
}

</mosaic_0001>

<sc_bundles>
// kernel: kernel.3.cloned.1.call-start
scs
__scs_entry_jumppad:
0x0: {  	(pc) =	sbr.rel $0x88, $3  }
0x1: {  	(tag) =	ssettag $0x0;
	lr =	simm.s32 $0x1  }
0x2: {  	[smem:$0x3F9F] =	sst lr;
	_ =	strace $0xD0000000  }
0x3: {  	_ = 	snop  }
0x4: {  	_ = 	snop  }
0x5: {  	_ = 	snop  }
0x6: {  	_ = 	snop  }
0x7: {  	_ = 	snop  }
__scs_overlays_trampoline_lowered:
0x8: {  	[smem:$0x3FAE] =	sst s0  }
0x9: {  	[smem:$0x3FAF] =	sst s1  }
0xa: {  	[smem:$0x3FB0] =	sst s2  }
0xb: {  	[smem:$0x3FB1] =	sst s3  }
0xc: {  	[smem:$0x3FB2] =	sst s4  }
0xd: {  	[smem:$0x3FB3] =	sst s5  }
0xe: {  	[smem:$0x3FB4] =	sst s6  }
0xf: {  	[smem:$0x3FB5] =	sst s7  }
0x10: {  	[smem:$0x3FB6] =	sst s8  }
0x11: {  	[smem:$0x3FB7] =	sst s9;
	s0 =	simm.s32 @!p0 $0x0  }
0x12: {  	s1 =	sld [smem:$0x3F9D];
	s0 =	simm.s32 @p0 $0x1  }
0x13: {  	[smem:$0x3FB8] =	sst s0;
	s0 =	simm.s32 @!p1 $0x0  }
0x14: {  	s2 =	sld [smem:$0x3F9C];
	s0 =	simm.s32 @p1 $0x1  }
0x15: {  	[smem:$0x3FB9] =	sst s0;
	s0 =	simm.s32 @!p2 $0x0  }
0x16: {  	s3 =	sld [smem:$0x3FDB];
	s0 =	simm.s32 @p2 $0x1  }
0x17: {  	s4 =	simm.s32 $0x1BF5;
	[smem:$0x3FBB] =	sst s0  }
0x18: {  	s0 =	sld [smem:$0x3F9E];
	_ =	swait.ge [sflag:s4], $0x0  }
0x19: {  	s7 =	sld [smem:$0x3F9F]  }
0x1a: {  	s8 =	sadd.s32 $0xFFFFE003, lr  }
0x1b: {  	s9 =	sadd.s32 $0xFFFFFEF7, lr;
	s5 =	simm.s32 $0xFFFFFFFF;
	p2 =	slt.u32 s8, $0xFFFFF086  }
0x1c: {  	p1 =	slt.u32 s9, $0xF7A;
	s5 =	simm.s32 @!p2 $0x0  }
0x1d: {  	s5 =	simm.s32 @p1 $0x1;
	p0 =	seq.s32 s7, s2  }
0x1e: {  	s7 =	smul.u32 @!p0 $0xF7A, s2;
	p2 =	seq.s32 @!p0 s5, $0x0  }
0x1f: {  	s9 =	smul.u32 $0xF7A, s1;
	s8 =	simm.s32 @!p0 $0x1BF5;
	p2 =	por !p2, p0  }
0x20: {  	[sflag:s8] =	ssyncset.s32 @!p0 $0xFFFFF086;
	s6 =	sadd.s32 @!p0 s3, s7;
	s7 =	simm.s32 @!p0 $0x108  }
0x21: {  	s3 =	sadd.s32 s3, s9;
	s6 =	sadd.s32 @!p0 $0x88, s6;
	s7 =	simm.s32 @p2 $0x1082  }
0x22: {  	[simem:s7], [sflag:s8] =	dma.local @!p0 [hbm:s6], $0xF7A  }
0x23: {  	s9 =	sor.u32 $0xD0000000, s2;
	s6 =	simm.s32 $0x108;
	_ =	swait.ge @!p0 [sflag:s8], $0x0  }
0x24: {  	s3 =	sadd.s32 $0x88, s3;
	s6 =	simm.s32 @!p1 $0x1082;
	[sflag:s4] =	ssyncset.s32 $0xFFFFF086  }
0x25: {  	[simem:s6], [sflag:s4] =	dma.local [hbm:s3], $0xF7A  }
0x26: {  	[smem:$0x3F9F] =	sst s1;
	(tag) =	ssettag s2;
	_ =	strace s9  }
0x27: {  	s1 =	sld [smem:$0x3FAF]  }
0x28: {  	s2 =	sld [smem:$0x3FB0]  }
0x29: {  	s4 =	sld [smem:$0x3FB2]  }
0x2a: {  	p0 =	seq.s32 s5, $0x0;
	s5 =	sld [smem:$0x3FB3]  }
0x2b: {  	s6 =	sld [smem:$0x3FB4]  }
0x2c: {  	s7 =	sld [smem:$0x3FB5]  }
0x2d: {  	s3 =	simm.s32 $0x108;
	s8 =	sld [smem:$0x3FB6]  }
0x2e: {  	s3 =	simm.s32 @!p0 $0x1082;
	s9 =	sld [smem:$0x3FB7]  }
0x2f: {  	lr =	sadd.s32 s0, s3;
	s0 =	sld [smem:$0x3FAE]  }
0x30: {  	s3 =	sld [smem:$0x3FB1]  }
0x31: {  	[smem:$0x3FBA] =	sst s10  }
0x32: {  	s10 =	sld [smem:$0x3FB8];
	_ =	sdelay $0x3  }
0x33: {  	p0 =	seq.s32 s10, $0x1;
	s10 =	sld [smem:$0x3FBA];
	_ =	sdelay $0x3  }
0x34: {  	[smem:$0x3FBA] =	sst s10  }
0x35: {  	s10 =	sld [smem:$0x3FB9];
	_ =	sdelay $0x3  }
0x36: {  	p1 =	seq.s32 s10, $0x1;
	s10 =	sld [smem:$0x3FBA];
	_ =	sdelay $0x3  }
0x37: {  	[smem:$0x3FBA] =	sst s10  }
0x38: {  	s10 =	sld [smem:$0x3FBB]  }
0x39: {  	_ = 	snop;
	(pc) =	sbr.ind lr, $3  }
0x3a: {  	_ = 	snop  }
0x3b: {  	_ = 	snop  }
0x3c: {  	p2 =	seq.s32 s10, $0x1;
	s10 =	sld [smem:$0x3FBA]  }
0x3d: {  	_ =	shalt  }
0x3e: {  	_ =	shalt  }
0x3f: {  	_ =	shalt  }
0x40: {  	_ =	shalt  }
0x41: {  	_ =	shalt  }
0x42: {  	_ =	shalt  }
0x43: {  	_ =	shalt  }
0x44: {  	_ =	shalt  }
0x45: {  	_ =	shalt  }
0x46: {  	_ =	shalt  }
0x47: {  	_ =	shalt  }
0x48: {  	_ =	shalt  }
0x49: {  	_ =	shalt  }
0x4a: {  	_ =	shalt  }
0x4b: {  	_ =	shalt  }
0x4c: {  	_ =	shalt  }
0x4d: {  	_ =	shalt  }
0x4e: {  	_ =	shalt  }
0x4f: {  	_ =	shalt  }
0x50: {  	_ =	shalt  }
0x51: {  	_ =	shalt  }
0x52: {  	_ =	shalt  }
0x53: {  	_ =	shalt  }
0x54: {  	_ =	shalt  }
0x55: {  	_ =	shalt  }
0x56: {  	_ =	shalt  }
0x57: {  	_ =	shalt  }
0x58: {  	_ =	shalt  }
0x59: {  	_ =	shalt  }
0x5a: {  	_ =	shalt  }
0x5b: {  	_ =	shalt  }
0x5c: {  	_ =	shalt  }
0x5d: {  	_ =	shalt  }
0x5e: {  	_ =	shalt  }
0x5f: {  	_ =	shalt  }
0x60: {  	_ =	shalt  }
0x61: {  	_ =	shalt  }
0x62: {  	_ =	shalt  }
0x63: {  	_ =	shalt  }
0x64: {  	_ =	shalt  }
0x65: {  	_ =	shalt  }
0x66: {  	_ =	shalt  }
0x67: {  	_ =	shalt  }
0x68: {  	_ =	shalt  }
0x69: {  	_ =	shalt  }
0x6a: {  	_ =	shalt  }
0x6b: {  	_ =	shalt  }
0x6c: {  	_ =	shalt  }
0x6d: {  	_ =	shalt  }
0x6e: {  	_ =	shalt  }
0x6f: {  	_ =	shalt  }
0x70: {  	_ =	shalt  }
0x71: {  	_ =	shalt  }
0x72: {  	_ =	shalt  }
0x73: {  	_ =	shalt  }
0x74: {  	_ =	shalt  }
0x75: {  	_ =	shalt  }
0x76: {  	_ =	shalt  }
0x77: {  	_ =	shalt  }
0x78: {  	_ =	shalt  }
0x79: {  	_ =	shalt  }
0x7a: {  	_ =	shalt  }
0x7b: {  	_ =	shalt  }
0x7c: {  	_ =	shalt  }
0x7d: {  	_ =	shalt  }
0x7e: {  	_ =	shalt  }
0x7f: {  	_ =	shalt  }
0x80: {  	_ =	shalt  }
0x81: {  	_ =	shalt  }
0x82: {  	_ =	shalt  }
0x83: {  	_ =	shalt  }
0x84: {  	_ =	shalt  }
0x85: {  	_ =	shalt  }
0x86: {  	_ =	shalt  }
0x87: {  	_ =	shalt  }
.Lfunc_end0:
.L_simem_size_0:
called_computation_lowered:
.L_overlay_start_0:
0x88: {  	s2 =	sld [smem:$0x3FD9]  }
0x89: {  	s3 =	sld [smem:$0x3FFE];
	_ =	sdelay $0x1  }
0x8a: {  	s1 =	srdreg.scid  }
0x8b: {  	s0 =	sand.u32 $0x1, s1  }
0x8c: {  	s18 =	sshll.u32 s0, $0xA;
	s2 =	sadd.s32 s3, s2  }
0x8d: {  	s2 =	sadd.s32 s2, s18  }
0x8e: {  	[smem:$0x3FC6] =	sst s2  }
0x8f: {  	_ = 	snop  }
0x90: {  	s2 =	sld [smem:$0x3FC9]  }
0x91: {  	s19 =	sld [smem:$0x3FC8]  }
0x92: {  	s4 =	sld [smem:$0x3FD0];
	(tm) =	ssettm $0x1  }
0x93: {  	s5 =	sld [smem:$0x3FFB];
	_ =	sdelay $0x3  }
0x94: {  	_ =	strace s5  }
0x95: {  	s5 =	sld [smem:$0x3FFC];
	_ =	sdelay $0x3  }
0x96: {  	_ =	strace s5  }
0x97: {  	s5 =	sld [smem:$0x3FFD];
	_ =	sdelay $0x3  }
0x98: {  	_ =	strace s5  }
0x99: {  	_ =	strace $0x8FFFFFFF  }
0x9a: {  	s20 =	sld [smem:$0x3FDB];
	_ =	sdelay $0x1  }
0x9b: {  	s6 =	simm.s32 $_scs_section_size  }
0x9c: {  	s7 =	simm.s32 $_size__tile_overlayer_lowered;
	s8 =	simm.s32 $_tile_overlayer_lowered  }
0x9d: {  	s23 =	simm.s32 $0x1BFF;
	s22 =	sshll.u32 s8, $0x1;
	s5 =	sadd.s32 s6, s20  }
0x9e: {  	s9 =	simm.s32 $0x0;
	s21 =	sshll.u32 s7, $0x1;
	s7 =	sadd.s32 s22, s5  }
0x9f: {  	[timem:s9], [sflag:s23] =	dma.local [hbm:s7], s21  }
0xa0: {  	_ =	swait.ge [sflag:s23], s21  }
0xa1: {  	s6 =	ssub.s32 $0x0, s21;
	[sflag:s23] =	ssyncset.done $0x0  }
0xa2: {  	[sflag:s23] =	ssyncadd.s32 s6;
	_ =	sdelay $0x1  }
0xa3: {  	s24 =	simm.s32 $0x1B8B  }
0xa4: {  	_ =	swait.ge [sflag:s24], $0x1  }
0xa5: {  	[sflag:s24] =	ssyncset.done $0x0  }
0xa6: {  	s25 =	simm.s32 $0x1B8E;
	[sflag:s24] =	ssyncadd.s32 $0xFFFFFFFF  }
0xa7: {  	s26 =	simm.s32 $execute0_lowered;
	[smem:$0x3FD2] =	sst s25  }
0xa8: {  	s6 =	sshll.u32 s26, $0x1;
	_ =	strace $0x80000046;
	[dreg:$0x1] =	wrdreg $0xFFFFFFFF  }
0xa9: {  	s28 =	simm.s32 $_size_execute0_lowered;
	s5 =	sadd.s32 s5, s6;
	[dreg:$0x0] =	wrdreg $0x0  }
0xaa: {  	s6 =	sshll.u32 s28, $0x1;
	[dreg:$0x2] =	wrdreg s5  }
0xab: {  	[dreg:$0x3] =	wrdreg s6  }
0xac: {  	[dreg:$0x4] =	wrdreg $0xC0  }
0xad: {  	_ =	task [dreg:s9], $0x5FFFF  }
0xae: {  	[dreg:$0x1] =	wrdreg $0xFFFFFFFF  }
0xaf: {  	[dreg:$0x0] =	wrdreg $0x60  }
0xb0: {  	[dreg:$0x2] =	wrdreg s19  }
0xb1: {  	[dreg:$0x3] =	wrdreg s2  }
0xb2: {  	[dreg:$0x4] =	wrdreg s4  }
0xb3: {  	[dreg:$0x5] =	wrdreg $0x9  }
0xb4: {  	_ =	task.clear_ibuf [dreg:s9], $0x6FFFF;
	_ =	strace $0x90000046  }
0xb5: {  	s29 =	simm.s32 $0x9;
	_ =	strace $0x80000048  }
0xb6: {  	_ =	swait.ge [sflag:s29], $0x1  }
0xb7: {  	[sflag:s29] =	ssyncadd.s32 $0xFFFFFFFF  }
0xb8: {  	_ =	strace $0x90000048  }
0xb9: {  	_ =	sfence  }
0xba: {  	s30 =	sld [smem:$0x0];
	_ =	sdelay $0x2  }
0xbb: {  	s31 =	sshll.u32 s1, $0xD;
	s1 =	sshrl.u32 s1, $0x2  }
0xbc: {  	s3 =	sand.u32 $0x4000, s31;
	s1 =	sadd.s32 s1, s30  }
0xbd: {  	s0 =	sor.u32 s3, s0;
	s1 =	sshll.u32 s1, $0x11  }
0xbe: {  	s0 =	sor.u32 s1, s0  }
0xbf: {  	s0 =	sadd.s32 $0x8F2B, s0  }
0xc0: {  	[sflag:s0] =	ssyncadd.remote.s32 $0x1  }
0xc1: {  	_ =	sfence.sel $0xFFFF  }
0xc2: {  	[dreg:$0x0] =	wrdreg $0xFFFFFFFF;
	(pc) =	sbr.abs _section_cstart, $3  }
0xc3: {  	[dreg:$0x1] =	wrdreg $0xFFFFFFFF  }
0xc4: {  	_ =	task.clear_ibuf [dreg:s9], $0x2FFFF;
	_ =	strace $0x9FFFFFFF  }
0xc5: {  	(tm) =	ssettm $0x7FFFFFFF  }
tec
execute0_lowered:
.L_overlay_start_1:
0x0: {  	(tag) =	ssettag $0x1  }
0x1: {  	s0 =	srdreg.scid  }
0x2: {  	s3 =	stileid.u32;
	s0 =	sand.u32 $0x1, s0  }
0x3: {  	s3 =	sshll.u32 s3, $0x7;
	s4 =	sshll.u32 s0, $0x6  }
0x4: {  	s1 =	rddreg [dreg:$0x0];
	s4 =	sor.u32 s4, s3  }
0x5: {  	s2 =	rddreg [dreg:$0x1];
	s3 =	simm.s32 $0x0;
	s6 =	smul.u32 $0x480, s4  }
0x6: {  	[smem:$0x7FF] =	sst s3;
	s7 =	smul.u32 $0x2400, s4  }
0x7: {  	s5 =	rddreg [dreg:$0x2];
	s2 =	sadd.s32 s2, s4;
	_ =	strace $0x80000047  }
0x8: {  	[dreg:$0x4] =	wrdreg s2;
	s6 =	sadd.s32 s5, s6;
	s14 =	sshrl.u32 s7, $0x3  }
0x9: {  	[dreg:$0x14] =	wrdreg s6;
	s15 =	sadd.s32 $0x1200, s6;
	s4 =	sadd.s32 s5, s14  }
0xa: {  	[dreg:$0x5] =	wrdreg s15;
	s16 =	sadd.s32 $0x2400, s4  }
0xb: {  	s17 =	sadd.s32 $0x3600, s4;
	[dreg:$0x6] =	wrdreg s16  }
0xc: {  	s10 =	simm.s32 $0x4;
	s18 =	sadd.s32 $0x4800, s4;
	[dreg:$0x7] =	wrdreg s17  }
0xd: {  	s12 =	simm.s32 $0x2;
	s19 =	sadd.s32 $0x5A00, s4;
	[dreg:$0x8] =	wrdreg s18  }
0xe: {  	s13 =	simm.s32 $0x5;
	s20 =	sadd.s32 $0x6C00, s4;
	[dreg:$0x9] =	wrdreg s19  }
0xf: {  	s8 =	sadd.s32 $0x400, s1;
	s21 =	sadd.s32 $0x7E00, s4;
	[dreg:$0xa] =	wrdreg s20  }
0x10: {  	s0 =	ssub.s32 $0x2, s0;
	s22 =	sadd.s32 $0x9000, s4;
	[dreg:$0xb] =	wrdreg s21  }
0x11: {  	s24 =	sshrl.u32 s0, $0x1;
	s23 =	sadd.s32 $0xA200, s4;
	[dreg:$0xc] =	wrdreg s22  }
0x12: {  	s0 =	ssub.s32 s0, s24;
	s25 =	sadd.s32 $0xB400, s4;
	[dreg:$0xd] =	wrdreg s23  }
0x13: {  	s2 =	smax.u32 s0, $0x1;
	s26 =	sadd.s32 $0xC600, s4;
	[dreg:$0xe] =	wrdreg s25  }
0x14: {  	s0 =	simm.s32 $0x1;
	s28 =	sadd.s32 $0xD800, s4;
	[dreg:$0xf] =	wrdreg s26  }
0x15: {  	s7 =	sadd.s32 $0x300, s1;
	s29 =	sadd.s32 $0xEA00, s4;
	[dreg:$0x10] =	wrdreg s28  }
0x16: {  	v2 =	vlaneseq.u32;
	s5 =	sadd.s32 $0x100, s1;
	s30 =	sadd.s32 $0xFC00, s4;
	[dreg:$0x11] =	wrdreg s29  }
0x17: {  	vm0 =	vmmov $0xffff;
	vm1 =	vmmov $0xff;
	v1 =	vshrl.u32 v2, $0x3;
	s6 =	sadd.s32 $0x200, s1;
	s31 =	sadd.s32 $0x10E00, s4;
	[dreg:$0x12] =	wrdreg s30  }
0x18: {  	v0 =	vand.u32 $0x7, v2;
	v2 =	vor.u32 $0x8, v2;
	v1 =	vmul.u32 $0x8, v1;
	s14 =	simm.s32 $0x3;
	s15 =	simm.s32 $0x6;
	[dreg:$0x13] =	wrdreg s31  }
.LBB2_1:
0x19: {  	[dreg:$0x15] =	wrdreg s2  }
0x1a: {  	s16 =	rddreg [dreg:$0x4];
	s22 =	simm.s32 $0x7  }
0x1b: {  	[tilespmem:s3], [sflag:$0x7] =	stream.linear.gather [hbm4b:s16+s3], $0x200, $0x38;
	[tilespmem:$0x1B200] =	vst v63  }
0x1c: {  	_ =	swait.ge [sflag:s22], $0x200  }
0x1d: {  	[sflag:s22] =	ssyncset.done $0x0  }
0x1e: {  	[sflag:s22] =	ssyncadd.s32 $0xFFFFFE00  }
0x1f: {  	v3 =	vld [tilespmem:$0x0];
	_ =	sdelay $0x4  }
0x20: {  	v4 =	vshrl.u32 v3, $0x3  }
0x21: {  	v4 =	vmul.u32 $0x48, v4  }
0x22: {  	v3 =	vand.u32 $0x7, v3  }
0x23: {  	v3 =	vor.u32 v3, v4  }
0x24: {  	v4 =	vperm.xlane v3, v0;
	_ =	sdelay $0x1  }
0x25: {  	v4 =	vadd.s32 v1, v4;
	_ =	sdelay $0x3  }
0x26: {  	s23 =	simm.s32 $0x200  }
0x27: {  	[tilespmem:s23], [sflag:$0x1] =	stream.indirect_vreg.gather [hbm4b:s1+s3], $0x80, v4, vm0, $0xb8;
	[tilespmem:$0x1B200] =	vst v63  }
0x28: {  	s24 =	simm.s32 $0xA00  }
0x29: {  	[tilespmem:s24], [sflag:$0x1] =	stream.indirect_vreg.gather [hbm4b:s5+s3], $0x80, v4, vm0, $0xb8;
	[tilespmem:$0x1B200] =	vst v63  }
0x2a: {  	s25 =	simm.s32 $0x1200;
	v3 =	vperm.xlane v3, v2  }
0x2b: {  	[tilespmem:s25], [sflag:$0x1] =	stream.indirect_vreg.gather [hbm4b:s6+s3], $0x80, v4, vm0, $0xb8;
	[tilespmem:$0x1B200] =	vst v63  }
0x2c: {  	s26 =	simm.s32 $0x1A00;
	v3 =	vadd.s32 v1, v3  }
0x2d: {  	[tilespmem:s26], [sflag:$0x1] =	stream.indirect_vreg.gather [hbm4b:s7+s3], $0x80, v4, vm0, $0xb8;
	[tilespmem:$0x1B200] =	vst v63  }
0x2e: {  	s28 =	simm.s32 $0x2200  }
0x2f: {  	[tilespmem:s28], [sflag:$0x1] =	stream.indirect_vreg.gather [hbm4b:s8+s3], $0x80, v4, vm1, $0xb8;
	[tilespmem:$0x1B200] =	vst v63  }
0x30: {  	s29 =	simm.s32 $0x2600  }
0x31: {  	[tilespmem:s29], [sflag:$0x1] =	stream.indirect_vreg.gather [hbm4b:s1+s3], $0x80, v3, vm0, $0xb8;
	[tilespmem:$0x1B200] =	vst v63  }
0x32: {  	s2 =	simm.s32 $0x2E00  }
0x33: {  	[tilespmem:s2], [sflag:$0x1] =	stream.indirect_vreg.gather [hbm4b:s5+s3], $0x80, v3, vm0, $0xb8;
	[tilespmem:$0x1B200] =	vst v63  }
0x34: {  	s9 =	simm.s32 $0x3600  }
0x35: {  	[tilespmem:s9], [sflag:$0x1] =	stream.indirect_vreg.gather [hbm4b:s6+s3], $0x80, v3, vm0, $0xb8;
	[tilespmem:$0x1B200] =	vst v63  }
0x36: {  	s11 =	simm.s32 $0x3E00  }
0x37: {  	[tilespmem:s11], [sflag:$0x1] =	stream.indirect_vreg.gather [hbm4b:s7+s3], $0x80, v3, vm0, $0xb8;
	[tilespmem:$0x1B200] =	vst v63  }
0x38: {  	s17 =	simm.s32 $0x4600  }
0x39: {  	[tilespmem:s17], [sflag:$0x1] =	stream.indirect_vreg.gather [hbm4b:s8+s3], $0x80, v3, vm1, $0xb8;
	[tilespmem:$0x1B200] =	vst v63  }
0x3a: {  	v3 =	vld [tilespmem:$0x10];
	_ =	sdelay $0x4  }
0x3b: {  	v33 =	vshrl.u32 v3, $0x3  }
0x3c: {  	v4 =	vmul.u32 $0x48, v33  }
0x3d: {  	v3 =	vand.u32 $0x7, v3  }
0x3e: {  	v3 =	vor.u32 v3, v4  }
0x3f: {  	v4 =	vperm.xlane v3, v0;
	_ =	sdelay $0x1  }
0x40: {  	v4 =	vadd.s32 v1, v4;
	_ =	sdelay $0x3  }
0x41: {  	s18 =	simm.s32 $0x4A00  }
0x42: {  	[tilespmem:s18], [sflag:$0x1] =	stream.indirect_vreg.gather [hbm4b:s1+s3], $0x80, v4, vm0, $0xb8;
	[tilespmem:$0x1B200] =	vst v63  }
0x43: {  	s19 =	simm.s32 $0x5200  }
0x44: {  	[tilespmem:s19], [sflag:$0x1] =	stream.indirect_vreg.gather [hbm4b:s5+s3], $0x80, v4, vm0, $0xb8;
	[tilespmem:$0x1B200] =	vst v63  }
0x45: {  	s22 =	simm.s32 $0x5A00;
	v3 =	vperm.xlane v3, v2  }
0x46: {  	[tilespmem:s22], [sflag:$0x1] =	stream.indirect_vreg.gather [hbm4b:s6+s3], $0x80, v4, vm0, $0xb8;
	[tilespmem:$0x1B200] =	vst v63  }
0x47: {  	s23 =	simm.s32 $0x6200;
	v3 =	vadd.s32 v1, v3  }
0x48: {  	[tilespmem:s23], [sflag:$0x1] =	stream.indirect_vreg.gather [hbm4b:s7+s3], $0x80, v4, vm0, $0xb8;
	[tilespmem:$0x1B200] =	vst v63  }
0x49: {  	s24 =	simm.s32 $0x6A00  }
0x4a: {  	[tilespmem:s24], [sflag:$0x1] =	stream.indirect_vreg.gather [hbm4b:s8+s3], $0x80, v4, vm1, $0xb8;
	[tilespmem:$0x1B200] =	vst v63  }
0x4b: {  	s25 =	simm.s32 $0x6E00  }
0x4c: {  	[tilespmem:s25], [sflag:$0x1] =	stream.indirect_vreg.gather [hbm4b:s1+s3], $0x80, v3, vm0, $0xb8;
	[tilespmem:$0x1B200] =	vst v63  }
0x4d: {  	s26 =	simm.s32 $0x7600  }
0x4e: {  	[tilespmem:s26], [sflag:$0x1] =	stream.indirect_vreg.gather [hbm4b:s5+s3], $0x80, v3, vm0, $0xb8;
	[tilespmem:$0x1B200] =	vst v63  }
0x4f: {  	s28 =	simm.s32 $0x7E00  }
0x50: {  	[tilespmem:s28], [sflag:$0x1] =	stream.indirect_vreg.gather [hbm4b:s6+s3], $0x80, v3, vm0, $0xb8;
	[tilespmem:$0x1B200] =	vst v63  }
0x51: {  	s2 =	simm.s32 $0x8600  }
0x52: {  	[tilespmem:s2], [sflag:$0x1] =	stream.indirect_vreg.gather [hbm4b:s7+s3], $0x80, v3, vm0, $0xb8;
	[tilespmem:$0x1B200] =	vst v63  }
0x53: {  	s9 =	simm.s32 $0x8E00  }
0x54: {  	[tilespmem:s9], [sflag:$0x1] =	stream.indirect_vreg.gather [hbm4b:s8+s3], $0x80, v3, vm1, $0xb8;
	[tilespmem:$0x1B200] =	vst v63  }
0x55: {  	v3 =	vld [tilespmem:$0x20];
	_ =	sdelay $0x4  }
0x56: {  	v34 =	vshrl.u32 v3, $0x3  }
0x57: {  	v4 =	vmul.u32 $0x48, v34  }
0x58: {  	v3 =	vand.u32 $0x7, v3  }
0x59: {  	v3 =	vor.u32 v3, v4  }
0x5a: {  	v4 =	vperm.xlane v3, v0;
	_ =	sdelay $0x1  }
0x5b: {  	v4 =	vadd.s32 v1, v4;
	_ =	sdelay $0x3  }
0x5c: {  	s16 =	simm.s32 $0x9200  }
0x5d: {  	[tilespmem:s16], [sflag:$0x2] =	stream.indirect_vreg.gather [hbm4b:s1+s3], $0x80, v4, vm0, $0xb8;
	[tilespmem:$0x1B200] =	vst v63  }
0x5e: {  	s9 =	simm.s32 $0x9A00  }
0x5f: {  	[tilespmem:s9], [sflag:$0x2] =	stream.indirect_vreg.gather [hbm4b:s5+s3], $0x80, v4, vm0, $0xb8;
	[tilespmem:$0x1B200] =	vst v63  }
0x60: {  	v3 =	vperm.xlane v3, v2;
	s16 =	simm.s32 $0xA200  }
0x61: {  	[tilespmem:s16], [sflag:$0x2] =	stream.indirect_vreg.gather [hbm4b:s6+s3], $0x80, v4, vm0, $0xb8;
	[tilespmem:$0x1B200] =	vst v63  }
0x62: {  	v3 =	vadd.s32 v1, v3;
	s9 =	simm.s32 $0xAA00  }
0x63: {  	[tilespmem:s9], [sflag:$0x2] =	stream.indirect_vreg.gather [hbm4b:s7+s3], $0x80, v4, vm0, $0xb8;
	[tilespmem:$0x1B200] =	vst v63  }
0x64: {  	s16 =	simm.s32 $0xB200  }
0x65: {  	[tilespmem:s16], [sflag:$0x2] =	stream.indirect_vreg.gather [hbm4b:s8+s3], $0x80, v4, vm1, $0xb8;
	[tilespmem:$0x1B200] =	vst v63  }
0x66: {  	s9 =	simm.s32 $0xB600  }
0x67: {  	[tilespmem:s9], [sflag:$0x2] =	stream.indirect_vreg.gather [hbm4b:s1+s3], $0x80, v3, vm0, $0xb8;
	[tilespmem:$0x1B200] =	vst v63  }
0x68: {  	s16 =	simm.s32 $0xBE00  }
0x69: {  	[tilespmem:s16], [sflag:$0x2] =	stream.indirect_vreg.gather [hbm4b:s5+s3], $0x80, v3, vm0, $0xb8;
	[tilespmem:$0x1B200] =	vst v63  }
0x6a: {  	s9 =	simm.s32 $0xC600  }
0x6b: {  	[tilespmem:s9], [sflag:$0x2] =	stream.indirect_vreg.gather [hbm4b:s6+s3], $0x80, v3, vm0, $0xb8;
	[tilespmem:$0x1B200] =	vst v63  }
0x6c: {  	s16 =	simm.s32 $0xCE00  }
0x6d: {  	[tilespmem:s16], [sflag:$0x2] =	stream.indirect_vreg.gather [hbm4b:s7+s3], $0x80, v3, vm0, $0xb8;
	[tilespmem:$0x1B200] =	vst v63  }
0x6e: {  	s9 =	simm.s32 $0xD600  }
0x6f: {  	[tilespmem:s9], [sflag:$0x2] =	stream.indirect_vreg.gather [hbm4b:s8+s3], $0x80, v3, vm1, $0xb8;
	[tilespmem:$0x1B200] =	vst v63  }
0x70: {  	v3 =	vld [tilespmem:$0x30];
	_ =	sdelay $0x4  }
0x71: {  	v35 =	vshrl.u32 v3, $0x3  }
0x72: {  	v4 =	vmul.u32 $0x48, v35  }
0x73: {  	v3 =	vand.u32 $0x7, v3  }
0x74: {  	v3 =	vor.u32 v3, v4  }
0x75: {  	v4 =	vperm.xlane v3, v0;
	_ =	sdelay $0x1  }
0x76: {  	v4 =	vadd.s32 v1, v4;
	_ =	sdelay $0x3  }
0x77: {  	s16 =	simm.s32 $0xDA00  }
0x78: {  	[tilespmem:s16], [sflag:$0x2] =	stream.indirect_vreg.gather [hbm4b:s1+s3], $0x80, v4, vm0, $0xb8;
	[tilespmem:$0x1B200] =	vst v63  }
0x79: {  	s9 =	simm.s32 $0xE200  }
0x7a: {  	[tilespmem:s9], [sflag:$0x2] =	stream.indirect_vreg.gather [hbm4b:s5+s3], $0x80, v4, vm0, $0xb8;
	[tilespmem:$0x1B200] =	vst v63  }
0x7b: {  	v3 =	vperm.xlane v3, v2;
	s16 =	simm.s32 $0xEA00  }
0x7c: {  	[tilespmem:s16], [sflag:$0x2] =	stream.indirect_vreg.gather [hbm4b:s6+s3], $0x80, v4, vm0, $0xb8;
	[tilespmem:$0x1B200] =	vst v63  }
0x7d: {  	v3 =	vadd.s32 v1, v3;
	s16 =	simm.s32 $0xF200  }
0x7e: {  	[tilespmem:s16], [sflag:$0x2] =	stream.indirect_vreg.gather [hbm4b:s7+s3], $0x80, v4, vm0, $0xb8;
	[tilespmem:$0x1B200] =	vst v63  }
0x7f: {  	s16 =	simm.s32 $0xFA00  }
0x80: {  	[tilespmem:s16], [sflag:$0x2] =	stream.indirect_vreg.gather [hbm4b:s8+s3], $0x80, v4, vm1, $0xb8;
	[tilespmem:$0x1B200] =	vst v63  }
0x81: {  	s16 =	simm.s32 $0xFE00  }
0x82: {  	[tilespmem:s16], [sflag:$0x2] =	stream.indirect_vreg.gather [hbm4b:s1+s3], $0x80, v3, vm0, $0xb8;
	[tilespmem:$0x1B200] =	vst v63  }
0x83: {  	s16 =	simm.s32 $0x10600  }
0x84: {  	[tilespmem:s16], [sflag:$0x2] =	stream.indirect_vreg.gather [hbm4b:s5+s3], $0x80, v3, vm0, $0xb8;
	[tilespmem:$0x1B200] =	vst v63  }
0x85: {  	s16 =	simm.s32 $0x10E00  }
0x86: {  	[tilespmem:s16], [sflag:$0x2] =	stream.indirect_vreg.gather [hbm4b:s6+s3], $0x80, v3, vm0, $0xb8;
	[tilespmem:$0x1B200] =	vst v63  }
0x87: {  	s16 =	simm.s32 $0x11600  }
0x88: {  	[tilespmem:s16], [sflag:$0x2] =	stream.indirect_vreg.gather [hbm4b:s7+s3], $0x80, v3, vm0, $0xb8;
	[tilespmem:$0x1B200] =	vst v63  }
0x89: {  	s16 =	simm.s32 $0x11E00  }
0x8a: {  	[tilespmem:s16], [sflag:$0x2] =	stream.indirect_vreg.gather [hbm4b:s8+s3], $0x80, v3, vm1, $0xb8;
	[tilespmem:$0x1B200] =	vst v63  }
0x8b: {  	v3 =	vld [tilespmem:$0x40];
	_ =	sdelay $0x4  }
0x8c: {  	v36 =	vshrl.u32 v3, $0x3  }
0x8d: {  	v4 =	vmul.u32 $0x48, v36  }
0x8e: {  	v3 =	vand.u32 $0x7, v3  }
0x8f: {  	v3 =	vor.u32 v3, v4  }
0x90: {  	v4 =	vperm.xlane v3, v0;
	_ =	sdelay $0x1  }
0x91: {  	v4 =	vadd.s32 v1, v4;
	_ =	sdelay $0x3  }
0x92: {  	s16 =	simm.s32 $0x12200  }
0x93: {  	[tilespmem:s16], [sflag:$0x3] =	stream.indirect_vreg.gather [hbm4b:s1+s3], $0x80, v4, vm0, $0xb8;
	[tilespmem:$0x1B200] =	vst v63  }
0x94: {  	s2 =	simm.s32 $0x12A00  }
0x95: {  	[tilespmem:s2], [sflag:$0x3] =	stream.indirect_vreg.gather [hbm4b:s5+s3], $0x80, v4, vm0, $0xb8;
	[tilespmem:$0x1B200] =	vst v63  }
0x96: {  	v3 =	vperm.xlane v3, v2;
	s2 =	simm.s32 $0x13200  }
0x97: {  	[tilespmem:s2], [sflag:$0x3] =	stream.indirect_vreg.gather [hbm4b:s6+s3], $0x80, v4, vm0, $0xb8;
	[tilespmem:$0x1B200] =	vst v63  }
0x98: {  	v3 =	vadd.s32 v1, v3;
	s2 =	simm.s32 $0x13A00  }
0x99: {  	[tilespmem:s2], [sflag:$0x3] =	stream.indirect_vreg.gather [hbm4b:s7+s3], $0x80, v4, vm0, $0xb8;
	[tilespmem:$0x1B200] =	vst v63  }
0x9a: {  	s2 =	simm.s32 $0x14200  }
0x9b: {  	[tilespmem:s2], [sflag:$0x3] =	stream.indirect_vreg.gather [hbm4b:s8+s3], $0x80, v4, vm1, $0xb8;
	[tilespmem:$0x1B200] =	vst v63  }
0x9c: {  	s2 =	simm.s32 $0x14600  }
0x9d: {  	[tilespmem:s2], [sflag:$0x3] =	stream.indirect_vreg.gather [hbm4b:s1+s3], $0x80, v3, vm0, $0xb8;
	[tilespmem:$0x1B200] =	vst v63  }
0x9e: {  	s2 =	simm.s32 $0x14E00  }
0x9f: {  	[tilespmem:s2], [sflag:$0x3] =	stream.indirect_vreg.gather [hbm4b:s5+s3], $0x80, v3, vm0, $0xb8;
	[tilespmem:$0x1B200] =	vst v63  }
0xa0: {  	s2 =	simm.s32 $0x15600  }
0xa1: {  	[tilespmem:s2], [sflag:$0x3] =	stream.indirect_vreg.gather [hbm4b:s6+s3], $0x80, v3, vm0, $0xb8;
	[tilespmem:$0x1B200] =	vst v63  }
0xa2: {  	s2 =	simm.s32 $0x15E00  }
0xa3: {  	[tilespmem:s2], [sflag:$0x3] =	stream.indirect_vreg.gather [hbm4b:s7+s3], $0x80, v3, vm0, $0xb8;
	[tilespmem:$0x1B200] =	vst v63  }
0xa4: {  	s2 =	simm.s32 $0x16600  }
0xa5: {  	[tilespmem:s2], [sflag:$0x3] =	stream.indirect_vreg.gather [hbm4b:s8+s3], $0x80, v3, vm1, $0xb8;
	[tilespmem:$0x1B200] =	vst v63  }
0xa6: {  	v3 =	vld [tilespmem:$0x50];
	_ =	sdelay $0x4  }
0xa7: {  	v37 =	vshrl.u32 v3, $0x3  }
0xa8: {  	v4 =	vmul.u32 $0x48, v37  }
0xa9: {  	v3 =	vand.u32 $0x7, v3  }
0xaa: {  	v3 =	vor.u32 v3, v4  }
0xab: {  	v4 =	vperm.xlane v3, v0;
	_ =	sdelay $0x1  }
0xac: {  	v4 =	vadd.s32 v1, v4;
	_ =	sdelay $0x3  }
0xad: {  	s2 =	simm.s32 $0x16A00  }
0xae: {  	[tilespmem:s2], [sflag:$0x3] =	stream.indirect_vreg.gather [hbm4b:s1+s3], $0x80, v4, vm0, $0xb8;
	[tilespmem:$0x1B200] =	vst v63  }
0xaf: {  	s2 =	simm.s32 $0x17200  }
0xb0: {  	[tilespmem:s2], [sflag:$0x3] =	stream.indirect_vreg.gather [hbm4b:s5+s3], $0x80, v4, vm0, $0xb8;
	[tilespmem:$0x1B200] =	vst v63  }
0xb1: {  	v3 =	vperm.xlane v3, v2;
	s2 =	simm.s32 $0x17A00  }
0xb2: {  	[tilespmem:s2], [sflag:$0x3] =	stream.indirect_vreg.gather [hbm4b:s6+s3], $0x80, v4, vm0, $0xb8;
	[tilespmem:$0x1B200] =	vst v63  }
0xb3: {  	v3 =	vadd.s32 v1, v3;
	s2 =	simm.s32 $0x18200  }
0xb4: {  	[tilespmem:s2], [sflag:$0x3] =	stream.indirect_vreg.gather [hbm4b:s7+s3], $0x80, v4, vm0, $0xb8;
	[tilespmem:$0x1B200] =	vst v63  }
0xb5: {  	s2 =	simm.s32 $0x18A00  }
0xb6: {  	[tilespmem:s2], [sflag:$0x3] =	stream.indirect_vreg.gather [hbm4b:s8+s3], $0x80, v4, vm1, $0xb8;
	[tilespmem:$0x1B200] =	vst v63  }
0xb7: {  	s2 =	simm.s32 $0x18E00  }
0xb8: {  	[tilespmem:s2], [sflag:$0x3] =	stream.indirect_vreg.gather [hbm4b:s1+s3], $0x80, v3, vm0, $0xb8;
	[tilespmem:$0x1B200] =	vst v63  }
0xb9: {  	s2 =	simm.s32 $0x19600  }
0xba: {  	[tilespmem:s2], [sflag:$0x3] =	stream.indirect_vreg.gather [hbm4b:s5+s3], $0x80, v3, vm0, $0xb8;
	[tilespmem:$0x1B200] =	vst v63  }
0xbb: {  	s2 =	simm.s32 $0x19E00  }
0xbc: {  	[tilespmem:s2], [sflag:$0x3] =	stream.indirect_vreg.gather [hbm4b:s6+s3], $0x80, v3, vm0, $0xb8;
	[tilespmem:$0x1B200] =	vst v63  }
0xbd: {  	s2 =	simm.s32 $0x1A600  }
0xbe: {  	[tilespmem:s2], [sflag:$0x3] =	stream.indirect_vreg.gather [hbm4b:s7+s3], $0x80, v3, vm0, $0xb8;
	[tilespmem:$0x1B200] =	vst v63  }
0xbf: {  	s2 =	simm.s32 $0x1AE00  }
0xc0: {  	[tilespmem:s2], [sflag:$0x3] =	stream.indirect_vreg.gather [hbm4b:s8+s3], $0x80, v3, vm1, $0xb8;
	[tilespmem:$0x1B200] =	vst v63  }
0xc1: {  	_ =	swait.ge [sflag:s0], $0x9000  }
0xc2: {  	[sflag:s0] =	ssyncset.done $0x0  }
0xc3: {  	s4 =	simm.s32 $0x200;
	s2 =	rddreg [dreg:$0x14];
	[sflag:s0] =	ssyncadd.s32 $0xFFFF7000  }
0xc4: {  	[hbm4b:s2+s3] =	stream.linear.scatter [tilespmem:s4], [sflag:$0x4], $0x9000, $0x38;
	[tilespmem:$0x1B200] =	vst v63  }
0xc5: {  	_ =	swait.ge [sflag:s10], $0x9000  }
0xc6: {  	[sflag:s10] =	ssyncset.done $0x0  }
0xc7: {  	[sflag:s10] =	ssyncadd.s32 $0xFFFF7000  }
0xc8: {  	v3 =	vld [tilespmem:$0x60];
	_ =	sdelay $0x4  }
0xc9: {  	v38 =	vshrl.u32 v3, $0x3  }
0xca: {  	v4 =	vmul.u32 $0x48, v38  }
0xcb: {  	v3 =	vand.u32 $0x7, v3  }
0xcc: {  	v3 =	vor.u32 v3, v4  }
0xcd: {  	v4 =	vperm.xlane v3, v0;
	_ =	sdelay $0x1  }
0xce: {  	v4 =	vadd.s32 v1, v4;
	_ =	sdelay $0x4  }
0xcf: {  	[tilespmem:s4], [sflag:$0x1] =	stream.indirect_vreg.gather [hbm4b:s1+s3], $0x80, v4, vm0, $0xb8;
	[tilespmem:$0x1B200] =	vst v63  }
0xd0: {  	s20 =	simm.s32 $0xA00  }
0xd1: {  	[tilespmem:s20], [sflag:$0x1] =	stream.indirect_vreg.gather [hbm4b:s5+s3], $0x80, v4, vm0, $0xb8;
	[tilespmem:$0x1B200] =	vst v63  }
0xd2: {  	s30 =	simm.s32 $0x1200;
	v3 =	vperm.xlane v3, v2  }
0xd3: {  	[tilespmem:s30], [sflag:$0x1] =	stream.indirect_vreg.gather [hbm4b:s6+s3], $0x80, v4, vm0, $0xb8;
	[tilespmem:$0x1B200] =	vst v63  }
0xd4: {  	s31 =	simm.s32 $0x1A00;
	v3 =	vadd.s32 v1, v3  }
0xd5: {  	[tilespmem:s31], [sflag:$0x1] =	stream.indirect_vreg.gather [hbm4b:s7+s3], $0x80, v4, vm0, $0xb8;
	[tilespmem:$0x1B200] =	vst v63  }
0xd6: {  	s30 =	simm.s32 $0x2200  }
0xd7: {  	[tilespmem:s30], [sflag:$0x1] =	stream.indirect_vreg.gather [hbm4b:s8+s3], $0x80, v4, vm1, $0xb8;
	[tilespmem:$0x1B200] =	vst v63  }
0xd8: {  	s31 =	simm.s32 $0x2600  }
0xd9: {  	[tilespmem:s31], [sflag:$0x1] =	stream.indirect_vreg.gather [hbm4b:s1+s3], $0x80, v3, vm0, $0xb8;
	[tilespmem:$0x1B200] =	vst v63  }
0xda: {  	s4 =	simm.s32 $0x2E00  }
0xdb: {  	[tilespmem:s4], [sflag:$0x1] =	stream.indirect_vreg.gather [hbm4b:s5+s3], $0x80, v3, vm0, $0xb8;
	[tilespmem:$0x1B200] =	vst v63  }
0xdc: {  	s16 =	simm.s32 $0x3600  }
0xdd: {  	[tilespmem:s16], [sflag:$0x1] =	stream.indirect_vreg.gather [hbm4b:s6+s3], $0x80, v3, vm0, $0xb8;
	[tilespmem:$0x1B200] =	vst v63  }
0xde: {  	s11 =	simm.s32 $0x3E00  }
0xdf: {  	[tilespmem:s11], [sflag:$0x1] =	stream.indirect_vreg.gather [hbm4b:s7+s3], $0x80, v3, vm0, $0xb8;
	[tilespmem:$0x1B200] =	vst v63  }
0xe0: {  	s29 =	simm.s32 $0x4600  }
0xe1: {  	[tilespmem:s29], [sflag:$0x1] =	stream.indirect_vreg.gather [hbm4b:s8+s3], $0x80, v3, vm1, $0xb8;
	[tilespmem:$0x1B200] =	vst v63  }
0xe2: {  	v3 =	vld [tilespmem:$0x70];
	_ =	sdelay $0x4  }
0xe3: {  	v39 =	vshrl.u32 v3, $0x3  }
0xe4: {  	v4 =	vmul.u32 $0x48, v39  }
0xe5: {  	v3 =	vand.u32 $0x7, v3  }
0xe6: {  	v3 =	vor.u32 v3, v4  }
0xe7: {  	v4 =	vperm.xlane v3, v0;
	_ =	sdelay $0x1  }
0xe8: {  	v4 =	vadd.s32 v1, v4;
	_ =	sdelay $0x3  }
0xe9: {  	s21 =	simm.s32 $0x4A00  }
0xea: {  	[tilespmem:s21], [sflag:$0x1] =	stream.indirect_vreg.gather [hbm4b:s1+s3], $0x80, v4, vm0, $0xb8;
	[tilespmem:$0x1B200] =	vst v63  }
0xeb: {  	s17 =	simm.s32 $0x5200  }
0xec: {  	[tilespmem:s17], [sflag:$0x1] =	stream.indirect_vreg.gather [hbm4b:s5+s3], $0x80, v4, vm0, $0xb8;
	[tilespmem:$0x1B200] =	vst v63  }
0xed: {  	s18 =	simm.s32 $0x5A00;
	v3 =	vperm.xlane v3, v2  }
0xee: {  	[tilespmem:s18], [sflag:$0x1] =	stream.indirect_vreg.gather [hbm4b:s6+s3], $0x80, v4, vm0, $0xb8;
	[tilespmem:$0x1B200] =	vst v63  }
0xef: {  	s22 =	simm.s32 $0x6200;
	v3 =	vadd.s32 v1, v3  }
0xf0: {  	[tilespmem:s22], [sflag:$0x1] =	stream.indirect_vreg.gather [hbm4b:s7+s3], $0x80, v4, vm0, $0xb8;
	[tilespmem:$0x1B200] =	vst v63  }
0xf1: {  	s23 =	simm.s32 $0x6A00  }
0xf2: {  	[tilespmem:s23], [sflag:$0x1] =	stream.indirect_vreg.gather [hbm4b:s8+s3], $0x80, v4, vm1, $0xb8;
	[tilespmem:$0x1B200] =	vst v63  }
0xf3: {  	s24 =	simm.s32 $0x6E00  }
0xf4: {  	[tilespmem:s24], [sflag:$0x1] =	stream.indirect_vreg.gather [hbm4b:s1+s3], $0x80, v3, vm0, $0xb8;
	[tilespmem:$0x1B200] =	vst v63  }
0xf5: {  	s25 =	simm.s32 $0x7600  }
0xf6: {  	[tilespmem:s25], [sflag:$0x1] =	stream.indirect_vreg.gather [hbm4b:s5+s3], $0x80, v3, vm0, $0xb8;
	[tilespmem:$0x1B200] =	vst v63  }
0xf7: {  	s26 =	simm.s32 $0x7E00  }
0xf8: {  	[tilespmem:s26], [sflag:$0x1] =	stream.indirect_vreg.gather [hbm4b:s6+s3], $0x80, v3, vm0, $0xb8;
	[tilespmem:$0x1B200] =	vst v63  }
0xf9: {  	s28 =	simm.s32 $0x8600  }
0xfa: {  	[tilespmem:s28], [sflag:$0x1] =	stream.indirect_vreg.gather [hbm4b:s7+s3], $0x80, v3, vm0, $0xb8;
	[tilespmem:$0x1B200] =	vst v63  }
0xfb: {  	s19 =	simm.s32 $0x8E00  }
0xfc: {  	[tilespmem:s19], [sflag:$0x1] =	stream.indirect_vreg.gather [hbm4b:s8+s3], $0x80, v3, vm1, $0xb8;
	[tilespmem:$0x1B200] =	vst v63  }
0xfd: {  	_ =	swait.ge [sflag:s12], $0x9000  }
0xfe: {  	[sflag:s12] =	ssyncset.done $0x0  }
0xff: {  	s19 =	simm.s32 $0x9200;
	s18 =	rddreg [dreg:$0x5];
	[sflag:s12] =	ssyncadd.s32 $0xFFFF7000  }
0x100: {  	[hbm4b:s18+s3] =	stream.linear.scatter [tilespmem:s19], [sflag:$0x5], $0x9000, $0x38;
	[tilespmem:$0x1B200] =	vst v63  }
0x101: {  	_ =	swait.ge [sflag:s13], $0x9000  }
0x102: {  	[sflag:s13] =	ssyncset.done $0x0  }
0x103: {  	[sflag:s13] =	ssyncadd.s32 $0xFFFF7000  }
0x104: {  	v3 =	vld [tilespmem:$0x80];
	_ =	sdelay $0x4  }
0x105: {  	v40 =	vshrl.u32 v3, $0x3  }
0x106: {  	v4 =	vmul.u32 $0x48, v40  }
0x107: {  	v3 =	vand.u32 $0x7, v3  }
0x108: {  	v3 =	vor.u32 v3, v4  }
0x109: {  	v4 =	vperm.xlane v3, v0;
	_ =	sdelay $0x1  }
0x10a: {  	v4 =	vadd.s32 v1, v4;
	_ =	sdelay $0x4  }
0x10b: {  	[tilespmem:s19], [sflag:$0x2] =	stream.indirect_vreg.gather [hbm4b:s1+s3], $0x80, v4, vm0, $0xb8;
	[tilespmem:$0x1B200] =	vst v63  }
0x10c: {  	s30 =	simm.s32 $0x9A00  }
0x10d: {  	[tilespmem:s30], [sflag:$0x2] =	stream.indirect_vreg.gather [hbm4b:s5+s3], $0x80, v4, vm0, $0xb8;
	[tilespmem:$0x1B200] =	vst v63  }
0x10e: {  	s31 =	simm.s32 $0xA200;
	v3 =	vperm.xlane v3, v2  }
0x10f: {  	[tilespmem:s31], [sflag:$0x2] =	stream.indirect_vreg.gather [hbm4b:s6+s3], $0x80, v4, vm0, $0xb8;
	[tilespmem:$0x1B200] =	vst v63  }
0x110: {  	s11 =	simm.s32 $0xAA00;
	v3 =	vadd.s32 v1, v3  }
0x111: {  	[tilespmem:s11], [sflag:$0x2] =	stream.indirect_vreg.gather [hbm4b:s7+s3], $0x80, v4, vm0, $0xb8;
	[tilespmem:$0x1B200] =	vst v63  }
0x112: {  	s21 =	simm.s32 $0xB200  }
0x113: {  	[tilespmem:s21], [sflag:$0x2] =	stream.indirect_vreg.gather [hbm4b:s8+s3], $0x80, v4, vm1, $0xb8;
	[tilespmem:$0x1B200] =	vst v63  }
0x114: {  	s22 =	simm.s32 $0xB600  }
0x115: {  	[tilespmem:s22], [sflag:$0x2] =	stream.indirect_vreg.gather [hbm4b:s1+s3], $0x80, v3, vm0, $0xb8;
	[tilespmem:$0x1B200] =	vst v63  }
0x116: {  	s23 =	simm.s32 $0xBE00  }
0x117: {  	[tilespmem:s23], [sflag:$0x2] =	stream.indirect_vreg.gather [hbm4b:s5+s3], $0x80, v3, vm0, $0xb8;
	[tilespmem:$0x1B200] =	vst v63  }
0x118: {  	s24 =	simm.s32 $0xC600  }
0x119: {  	[tilespmem:s24], [sflag:$0x2] =	stream.indirect_vreg.gather [hbm4b:s6+s3], $0x80, v3, vm0, $0xb8;
	[tilespmem:$0x1B200] =	vst v63  }
0x11a: {  	s25 =	simm.s32 $0xCE00  }
0x11b: {  	[tilespmem:s25], [sflag:$0x2] =	stream.indirect_vreg.gather [hbm4b:s7+s3], $0x80, v3, vm0, $0xb8;
	[tilespmem:$0x1B200] =	vst v63  }
0x11c: {  	s2 =	simm.s32 $0xD600  }
0x11d: {  	[tilespmem:s2], [sflag:$0x2] =	stream.indirect_vreg.gather [hbm4b:s8+s3], $0x80, v3, vm1, $0xb8;
	[tilespmem:$0x1B200] =	vst v63  }
0x11e: {  	v3 =	vld [tilespmem:$0x90];
	_ =	sdelay $0x4  }
0x11f: {  	v41 =	vshrl.u32 v3, $0x3  }
0x120: {  	v4 =	vmul.u32 $0x48, v41  }
0x121: {  	v3 =	vand.u32 $0x7, v3  }
0x122: {  	v3 =	vor.u32 v3, v4  }
0x123: {  	v4 =	vperm.xlane v3, v0;
	_ =	sdelay $0x1  }
0x124: {  	v4 =	vadd.s32 v1, v4;
	_ =	sdelay $0x3  }
0x125: {  	s26 =	simm.s32 $0xDA00  }
0x126: {  	[tilespmem:s26], [sflag:$0x2] =	stream.indirect_vreg.gather [hbm4b:s1+s3], $0x80, v4, vm0, $0xb8;
	[tilespmem:$0x1B200] =	vst v63  }
0x127: {  	s9 =	simm.s32 $0xE200  }
0x128: {  	[tilespmem:s9], [sflag:$0x2] =	stream.indirect_vreg.gather [hbm4b:s5+s3], $0x80, v4, vm0, $0xb8;
	[tilespmem:$0x1B200] =	vst v63  }
0x129: {  	s4 =	simm.s32 $0xEA00;
	v3 =	vperm.xlane v3, v2  }
0x12a: {  	[tilespmem:s4], [sflag:$0x2] =	stream.indirect_vreg.gather [hbm4b:s6+s3], $0x80, v4, vm0, $0xb8;
	[tilespmem:$0x1B200] =	vst v63  }
0x12b: {  	s28 =	simm.s32 $0xF200;
	v3 =	vadd.s32 v1, v3  }
0x12c: {  	[tilespmem:s28], [sflag:$0x2] =	stream.indirect_vreg.gather [hbm4b:s7+s3], $0x80, v4, vm0, $0xb8;
	[tilespmem:$0x1B200] =	vst v63  }
0x12d: {  	s29 =	simm.s32 $0xFA00  }
0x12e: {  	[tilespmem:s29], [sflag:$0x2] =	stream.indirect_vreg.gather [hbm4b:s8+s3], $0x80, v4, vm1, $0xb8;
	[tilespmem:$0x1B200] =	vst v63  }
0x12f: {  	s20 =	simm.s32 $0xFE00  }
0x130: {  	[tilespmem:s20], [sflag:$0x2] =	stream.indirect_vreg.gather [hbm4b:s1+s3], $0x80, v3, vm0, $0xb8;
	[tilespmem:$0x1B200] =	vst v63  }
0x131: {  	s18 =	simm.s32 $0x10600  }
0x132: {  	[tilespmem:s18], [sflag:$0x2] =	stream.indirect_vreg.gather [hbm4b:s5+s3], $0x80, v3, vm0, $0xb8;
	[tilespmem:$0x1B200] =	vst v63  }
0x133: {  	s19 =	simm.s32 $0x10E00  }
0x134: {  	[tilespmem:s19], [sflag:$0x2] =	stream.indirect_vreg.gather [hbm4b:s6+s3], $0x80, v3, vm0, $0xb8;
	[tilespmem:$0x1B200] =	vst v63  }
0x135: {  	s20 =	simm.s32 $0x11600  }
0x136: {  	[tilespmem:s20], [sflag:$0x2] =	stream.indirect_vreg.gather [hbm4b:s7+s3], $0x80, v3, vm0, $0xb8;
	[tilespmem:$0x1B200] =	vst v63  }
0x137: {  	s16 =	simm.s32 $0x11E00  }
0x138: {  	[tilespmem:s16], [sflag:$0x2] =	stream.indirect_vreg.gather [hbm4b:s8+s3], $0x80, v3, vm1, $0xb8;
	[tilespmem:$0x1B200] =	vst v63  }
0x139: {  	_ =	swait.ge [sflag:s14], $0x9000  }
0x13a: {  	[sflag:s14] =	ssyncset.done $0x0  }
0x13b: {  	s9 =	simm.s32 $0x12200;
	s16 =	rddreg [dreg:$0x6];
	[sflag:s14] =	ssyncadd.s32 $0xFFFF7000  }
0x13c: {  	[hbm4b:s16+s3] =	stream.linear.scatter [tilespmem:s9], [sflag:$0x6], $0x9000, $0x38;
	[tilespmem:$0x1B200] =	vst v63  }
0x13d: {  	_ =	swait.ge [sflag:s15], $0x9000  }
0x13e: {  	[sflag:s15] =	ssyncset.done $0x0  }
0x13f: {  	[sflag:s15] =	ssyncadd.s32 $0xFFFF7000  }
0x140: {  	v3 =	vld [tilespmem:$0xA0];
	_ =	sdelay $0x4  }
0x141: {  	v42 =	vshrl.u32 v3, $0x3  }
0x142: {  	v4 =	vmul.u32 $0x48, v42  }
0x143: {  	v3 =	vand.u32 $0x7, v3  }
0x144: {  	v3 =	vor.u32 v3, v4  }
0x145: {  	v4 =	vperm.xlane v3, v0;
	_ =	sdelay $0x1  }
0x146: {  	v4 =	vadd.s32 v1, v4;
	_ =	sdelay $0x4  }
0x147: {  	[tilespmem:s9], [sflag:$0x3] =	stream.indirect_vreg.gather [hbm4b:s1+s3], $0x80, v4, vm0, $0xb8;
	[tilespmem:$0x1B200] =	vst v63  }
0x148: {  	s16 =	simm.s32 $0x12A00  }
0x149: {  	[tilespmem:s16], [sflag:$0x3] =	stream.indirect_vreg.gather [hbm4b:s5+s3], $0x80, v4, vm0, $0xb8;
	[tilespmem:$0x1B200] =	vst v63  }
0x14a: {  	v3 =	vperm.xlane v3, v2;
	s16 =	simm.s32 $0x13200  }
0x14b: {  	[tilespmem:s16], [sflag:$0x3] =	stream.indirect_vreg.gather [hbm4b:s6+s3], $0x80, v4, vm0, $0xb8;
	[tilespmem:$0x1B200] =	vst v63  }
0x14c: {  	v3 =	vadd.s32 v1, v3;
	s16 =	simm.s32 $0x13A00  }
0x14d: {  	[tilespmem:s16], [sflag:$0x3] =	stream.indirect_vreg.gather [hbm4b:s7+s3], $0x80, v4, vm0, $0xb8;
	[tilespmem:$0x1B200] =	vst v63  }
0x14e: {  	s16 =	simm.s32 $0x14200  }
0x14f: {  	[tilespmem:s16], [sflag:$0x3] =	stream.indirect_vreg.gather [hbm4b:s8+s3], $0x80, v4, vm1, $0xb8;
	[tilespmem:$0x1B200] =	vst v63  }
0x150: {  	s16 =	simm.s32 $0x14600  }
0x151: {  	[tilespmem:s16], [sflag:$0x3] =	stream.indirect_vreg.gather [hbm4b:s1+s3], $0x80, v3, vm0, $0xb8;
	[tilespmem:$0x1B200] =	vst v63  }
0x152: {  	s16 =	simm.s32 $0x14E00  }
0x153: {  	[tilespmem:s16], [sflag:$0x3] =	stream.indirect_vreg.gather [hbm4b:s5+s3], $0x80, v3, vm0, $0xb8;
	[tilespmem:$0x1B200] =	vst v63  }
0x154: {  	s16 =	simm.s32 $0x15600  }
0x155: {  	[tilespmem:s16], [sflag:$0x3] =	stream.indirect_vreg.gather [hbm4b:s6+s3], $0x80, v3, vm0, $0xb8;
	[tilespmem:$0x1B200] =	vst v63  }
0x156: {  	s16 =	simm.s32 $0x15E00  }
0x157: {  	[tilespmem:s16], [sflag:$0x3] =	stream.indirect_vreg.gather [hbm4b:s7+s3], $0x80, v3, vm0, $0xb8;
	[tilespmem:$0x1B200] =	vst v63  }
0x158: {  	s16 =	simm.s32 $0x16600  }
0x159: {  	[tilespmem:s16], [sflag:$0x3] =	stream.indirect_vreg.gather [hbm4b:s8+s3], $0x80, v3, vm1, $0xb8;
	[tilespmem:$0x1B200] =	vst v63  }
0x15a: {  	v3 =	vld [tilespmem:$0xB0];
	_ =	sdelay $0x4  }
0x15b: {  	v43 =	vshrl.u32 v3, $0x3  }
0x15c: {  	v4 =	vmul.u32 $0x48, v43  }
0x15d: {  	v3 =	vand.u32 $0x7, v3  }
0x15e: {  	v3 =	vor.u32 v3, v4  }
0x15f: {  	v4 =	vperm.xlane v3, v0;
	_ =	sdelay $0x1  }
0x160: {  	v4 =	vadd.s32 v1, v4;
	_ =	sdelay $0x3  }
0x161: {  	s16 =	simm.s32 $0x16A00  }
0x162: {  	[tilespmem:s16], [sflag:$0x3] =	stream.indirect_vreg.gather [hbm4b:s1+s3], $0x80, v4, vm0, $0xb8;
	[tilespmem:$0x1B200] =	vst v63  }
0x163: {  	s16 =	simm.s32 $0x17200  }
0x164: {  	[tilespmem:s16], [sflag:$0x3] =	stream.indirect_vreg.gather [hbm4b:s5+s3], $0x80, v4, vm0, $0xb8;
	[tilespmem:$0x1B200] =	vst v63  }
0x165: {  	v3 =	vperm.xlane v3, v2;
	s16 =	simm.s32 $0x17A00  }
0x166: {  	[tilespmem:s16], [sflag:$0x3] =	stream.indirect_vreg.gather [hbm4b:s6+s3], $0x80, v4, vm0, $0xb8;
	[tilespmem:$0x1B200] =	vst v63  }
0x167: {  	v3 =	vadd.s32 v1, v3;
	s16 =	simm.s32 $0x18200  }
0x168: {  	[tilespmem:s16], [sflag:$0x3] =	stream.indirect_vreg.gather [hbm4b:s7+s3], $0x80, v4, vm0, $0xb8;
	[tilespmem:$0x1B200] =	vst v63  }
0x169: {  	s16 =	simm.s32 $0x18A00  }
0x16a: {  	[tilespmem:s16], [sflag:$0x3] =	stream.indirect_vreg.gather [hbm4b:s8+s3], $0x80, v4, vm1, $0xb8;
	[tilespmem:$0x1B200] =	vst v63  }
0x16b: {  	s16 =	simm.s32 $0x18E00  }
0x16c: {  	[tilespmem:s16], [sflag:$0x3] =	stream.indirect_vreg.gather [hbm4b:s1+s3], $0x80, v3, vm0, $0xb8;
	[tilespmem:$0x1B200] =	vst v63  }
0x16d: {  	s16 =	simm.s32 $0x19600  }
0x16e: {  	[tilespmem:s16], [sflag:$0x3] =	stream.indirect_vreg.gather [hbm4b:s5+s3], $0x80, v3, vm0, $0xb8;
	[tilespmem:$0x1B200] =	vst v63  }
0x16f: {  	s16 =	simm.s32 $0x19E00  }
0x170: {  	[tilespmem:s16], [sflag:$0x3] =	stream.indirect_vreg.gather [hbm4b:s6+s3], $0x80, v3, vm0, $0xb8;
	[tilespmem:$0x1B200] =	vst v63  }
0x171: {  	s16 =	simm.s32 $0x1A600  }
0x172: {  	[tilespmem:s16], [sflag:$0x3] =	stream.indirect_vreg.gather [hbm4b:s7+s3], $0x80, v3, vm0, $0xb8;
	[tilespmem:$0x1B200] =	vst v63  }
0x173: {  	s16 =	simm.s32 $0x1AE00  }
0x174: {  	[tilespmem:s16], [sflag:$0x3] =	stream.indirect_vreg.gather [hbm4b:s8+s3], $0x80, v3, vm1, $0xb8;
	[tilespmem:$0x1B200] =	vst v63  }
0x175: {  	_ =	swait.ge [sflag:s0], $0x9000  }
0x176: {  	[sflag:s0] =	ssyncset.done $0x0  }
0x177: {  	s9 =	simm.s32 $0x200;
	s16 =	rddreg [dreg:$0x7];
	[sflag:s0] =	ssyncadd.s32 $0xFFFF7000  }
0x178: {  	[hbm4b:s16+s3] =	stream.linear.scatter [tilespmem:s9], [sflag:$0x4], $0x9000, $0x38;
	[tilespmem:$0x1B200] =	vst v63  }
0x179: {  	_ =	swait.ge [sflag:s10], $0x9000  }
0x17a: {  	[sflag:s10] =	ssyncset.done $0x0  }
0x17b: {  	[sflag:s10] =	ssyncadd.s32 $0xFFFF7000  }
0x17c: {  	v3 =	vld [tilespmem:$0xC0];
	_ =	sdelay $0x4  }
0x17d: {  	v44 =	vshrl.u32 v3, $0x3  }
0x17e: {  	v4 =	vmul.u32 $0x48, v44  }
0x17f: {  	v3 =	vand.u32 $0x7, v3  }
0x180: {  	v3 =	vor.u32 v3, v4  }
0x181: {  	v4 =	vperm.xlane v3, v0;
	_ =	sdelay $0x1  }
0x182: {  	v4 =	vadd.s32 v1, v4;
	_ =	sdelay $0x4  }
0x183: {  	[tilespmem:s9], [sflag:$0x1] =	stream.indirect_vreg.gather [hbm4b:s1+s3], $0x80, v4, vm0, $0xb8;
	[tilespmem:$0x1B200] =	vst v63  }
0x184: {  	s16 =	simm.s32 $0xA00  }
0x185: {  	[tilespmem:s16], [sflag:$0x1] =	stream.indirect_vreg.gather [hbm4b:s5+s3], $0x80, v4, vm0, $0xb8;
	[tilespmem:$0x1B200] =	vst v63  }
0x186: {  	v3 =	vperm.xlane v3, v2;
	s16 =	simm.s32 $0x1200  }
0x187: {  	[tilespmem:s16], [sflag:$0x1] =	stream.indirect_vreg.gather [hbm4b:s6+s3], $0x80, v4, vm0, $0xb8;
	[tilespmem:$0x1B200] =	vst v63  }
0x188: {  	v3 =	vadd.s32 v1, v3;
	s16 =	simm.s32 $0x1A00  }
0x189: {  	[tilespmem:s16], [sflag:$0x1] =	stream.indirect_vreg.gather [hbm4b:s7+s3], $0x80, v4, vm0, $0xb8;
	[tilespmem:$0x1B200] =	vst v63  }
0x18a: {  	s16 =	simm.s32 $0x2200  }
0x18b: {  	[tilespmem:s16], [sflag:$0x1] =	stream.indirect_vreg.gather [hbm4b:s8+s3], $0x80, v4, vm1, $0xb8;
	[tilespmem:$0x1B200] =	vst v63  }
0x18c: {  	s16 =	simm.s32 $0x2600  }
0x18d: {  	[tilespmem:s16], [sflag:$0x1] =	stream.indirect_vreg.gather [hbm4b:s1+s3], $0x80, v3, vm0, $0xb8;
	[tilespmem:$0x1B200] =	vst v63  }
0x18e: {  	s16 =	simm.s32 $0x2E00  }
0x18f: {  	[tilespmem:s16], [sflag:$0x1] =	stream.indirect_vreg.gather [hbm4b:s5+s3], $0x80, v3, vm0, $0xb8;
	[tilespmem:$0x1B200] =	vst v63  }
0x190: {  	s16 =	simm.s32 $0x3600  }
0x191: {  	[tilespmem:s16], [sflag:$0x1] =	stream.indirect_vreg.gather [hbm4b:s6+s3], $0x80, v3, vm0, $0xb8;
	[tilespmem:$0x1B200] =	vst v63  }
0x192: {  	s16 =	simm.s32 $0x3E00  }
0x193: {  	[tilespmem:s16], [sflag:$0x1] =	stream.indirect_vreg.gather [hbm4b:s7+s3], $0x80, v3, vm0, $0xb8;
	[tilespmem:$0x1B200] =	vst v63  }
0x194: {  	s16 =	simm.s32 $0x4600  }
0x195: {  	[tilespmem:s16], [sflag:$0x1] =	stream.indirect_vreg.gather [hbm4b:s8+s3], $0x80, v3, vm1, $0xb8;
	[tilespmem:$0x1B200] =	vst v63  }
0x196: {  	v3 =	vld [tilespmem:$0xD0];
	_ =	sdelay $0x4  }
0x197: {  	v45 =	vshrl.u32 v3, $0x3  }
0x198: {  	v4 =	vmul.u32 $0x48, v45  }
0x199: {  	v3 =	vand.u32 $0x7, v3  }
0x19a: {  	v3 =	vor.u32 v3, v4  }
0x19b: {  	v4 =	vperm.xlane v3, v0;
	_ =	sdelay $0x1  }
0x19c: {  	v4 =	vadd.s32 v1, v4;
	_ =	sdelay $0x3  }
0x19d: {  	s16 =	simm.s32 $0x4A00  }
0x19e: {  	[tilespmem:s16], [sflag:$0x1] =	stream.indirect_vreg.gather [hbm4b:s1+s3], $0x80, v4, vm0, $0xb8;
	[tilespmem:$0x1B200] =	vst v63  }
0x19f: {  	s16 =	simm.s32 $0x5200  }
0x1a0: {  	[tilespmem:s16], [sflag:$0x1] =	stream.indirect_vreg.gather [hbm4b:s5+s3], $0x80, v4, vm0, $0xb8;
	[tilespmem:$0x1B200] =	vst v63  }
0x1a1: {  	v3 =	vperm.xlane v3, v2;
	s16 =	simm.s32 $0x5A00  }
0x1a2: {  	[tilespmem:s16], [sflag:$0x1] =	stream.indirect_vreg.gather [hbm4b:s6+s3], $0x80, v4, vm0, $0xb8;
	[tilespmem:$0x1B200] =	vst v63  }
0x1a3: {  	s17 =	simm.s32 $0x6200;
	v3 =	vadd.s32 v1, v3  }
0x1a4: {  	[tilespmem:s17], [sflag:$0x1] =	stream.indirect_vreg.gather [hbm4b:s7+s3], $0x80, v4, vm0, $0xb8;
	[tilespmem:$0x1B200] =	vst v63  }
0x1a5: {  	s16 =	simm.s32 $0x6A00  }
0x1a6: {  	[tilespmem:s16], [sflag:$0x1] =	stream.indirect_vreg.gather [hbm4b:s8+s3], $0x80, v4, vm1, $0xb8;
	[tilespmem:$0x1B200] =	vst v63  }
0x1a7: {  	s17 =	simm.s32 $0x6E00  }
0x1a8: {  	[tilespmem:s17], [sflag:$0x1] =	stream.indirect_vreg.gather [hbm4b:s1+s3], $0x80, v3, vm0, $0xb8;
	[tilespmem:$0x1B200] =	vst v63  }
0x1a9: {  	s16 =	simm.s32 $0x7600  }
0x1aa: {  	[tilespmem:s16], [sflag:$0x1] =	stream.indirect_vreg.gather [hbm4b:s5+s3], $0x80, v3, vm0, $0xb8;
	[tilespmem:$0x1B200] =	vst v63  }
0x1ab: {  	s17 =	simm.s32 $0x7E00  }
0x1ac: {  	[tilespmem:s17], [sflag:$0x1] =	stream.indirect_vreg.gather [hbm4b:s6+s3], $0x80, v3, vm0, $0xb8;
	[tilespmem:$0x1B200] =	vst v63  }
0x1ad: {  	s16 =	simm.s32 $0x8600  }
0x1ae: {  	[tilespmem:s16], [sflag:$0x1] =	stream.indirect_vreg.gather [hbm4b:s7+s3], $0x80, v3, vm0, $0xb8;
	[tilespmem:$0x1B200] =	vst v63  }
0x1af: {  	s17 =	simm.s32 $0x8E00  }
0x1b0: {  	[tilespmem:s17], [sflag:$0x1] =	stream.indirect_vreg.gather [hbm4b:s8+s3], $0x80, v3, vm1, $0xb8;
	[tilespmem:$0x1B200] =	vst v63  }
0x1b1: {  	_ =	swait.ge [sflag:s12], $0x9000  }
0x1b2: {  	[sflag:s12] =	ssyncset.done $0x0  }
0x1b3: {  	s17 =	simm.s32 $0x9200;
	s9 =	rddreg [dreg:$0x8];
	[sflag:s12] =	ssyncadd.s32 $0xFFFF7000  }
0x1b4: {  	[hbm4b:s9+s3] =	stream.linear.scatter [tilespmem:s17], [sflag:$0x5], $0x9000, $0x38;
	[tilespmem:$0x1B200] =	vst v63  }
0x1b5: {  	_ =	swait.ge [sflag:s13], $0x9000  }
0x1b6: {  	[sflag:s13] =	ssyncset.done $0x0  }
0x1b7: {  	[sflag:s13] =	ssyncadd.s32 $0xFFFF7000  }
0x1b8: {  	v3 =	vld [tilespmem:$0xE0];
	_ =	sdelay $0x4  }
0x1b9: {  	v46 =	vshrl.u32 v3, $0x3  }
0x1ba: {  	v4 =	vmul.u32 $0x48, v46  }
0x1bb: {  	v3 =	vand.u32 $0x7, v3  }
0x1bc: {  	v3 =	vor.u32 v3, v4  }
0x1bd: {  	v4 =	vperm.xlane v3, v0;
	_ =	sdelay $0x1  }
0x1be: {  	v4 =	vadd.s32 v1, v4;
	_ =	sdelay $0x4  }
0x1bf: {  	[tilespmem:s17], [sflag:$0x2] =	stream.indirect_vreg.gather [hbm4b:s1+s3], $0x80, v4, vm0, $0xb8;
	[tilespmem:$0x1B200] =	vst v63  }
0x1c0: {  	_ = 	snop  }
0x1c1: {  	[tilespmem:s30], [sflag:$0x2] =	stream.indirect_vreg.gather [hbm4b:s5+s3], $0x80, v4, vm0, $0xb8;
	[tilespmem:$0x1B200] =	vst v63  }
0x1c2: {  	v3 =	vperm.xlane v3, v2  }
0x1c3: {  	[tilespmem:s31], [sflag:$0x2] =	stream.indirect_vreg.gather [hbm4b:s6+s3], $0x80, v4, vm0, $0xb8;
	[tilespmem:$0x1B200] =	vst v63  }
0x1c4: {  	v3 =	vadd.s32 v1, v3  }
0x1c5: {  	[tilespmem:s11], [sflag:$0x2] =	stream.indirect_vreg.gather [hbm4b:s7+s3], $0x80, v4, vm0, $0xb8;
	[tilespmem:$0x1B200] =	vst v63  }
0x1c6: {  	_ = 	snop  }
0x1c7: {  	[tilespmem:s21], [sflag:$0x2] =	stream.indirect_vreg.gather [hbm4b:s8+s3], $0x80, v4, vm1, $0xb8;
	[tilespmem:$0x1B200] =	vst v63  }
0x1c8: {  	_ = 	snop  }
0x1c9: {  	[tilespmem:s22], [sflag:$0x2] =	stream.indirect_vreg.gather [hbm4b:s1+s3], $0x80, v3, vm0, $0xb8;
	[tilespmem:$0x1B200] =	vst v63  }
0x1ca: {  	_ = 	snop  }
0x1cb: {  	[tilespmem:s23], [sflag:$0x2] =	stream.indirect_vreg.gather [hbm4b:s5+s3], $0x80, v3, vm0, $0xb8;
	[tilespmem:$0x1B200] =	vst v63  }
0x1cc: {  	_ = 	snop  }
0x1cd: {  	[tilespmem:s24], [sflag:$0x2] =	stream.indirect_vreg.gather [hbm4b:s6+s3], $0x80, v3, vm0, $0xb8;
	[tilespmem:$0x1B200] =	vst v63  }
0x1ce: {  	_ = 	snop  }
0x1cf: {  	[tilespmem:s25], [sflag:$0x2] =	stream.indirect_vreg.gather [hbm4b:s7+s3], $0x80, v3, vm0, $0xb8;
	[tilespmem:$0x1B200] =	vst v63  }
0x1d0: {  	_ = 	snop  }
0x1d1: {  	[tilespmem:s2], [sflag:$0x2] =	stream.indirect_vreg.gather [hbm4b:s8+s3], $0x80, v3, vm1, $0xb8;
	[tilespmem:$0x1B200] =	vst v63  }
0x1d2: {  	v3 =	vld [tilespmem:$0xF0];
	_ =	sdelay $0x4  }
0x1d3: {  	v47 =	vshrl.u32 v3, $0x3  }
0x1d4: {  	v4 =	vmul.u32 $0x48, v47  }
0x1d5: {  	v3 =	vand.u32 $0x7, v3  }
0x1d6: {  	v3 =	vor.u32 v3, v4  }
0x1d7: {  	v4 =	vperm.xlane v3, v0;
	_ =	sdelay $0x1  }
0x1d8: {  	v4 =	vadd.s32 v1, v4;
	_ =	sdelay $0x4  }
0x1d9: {  	[tilespmem:s26], [sflag:$0x2] =	stream.indirect_vreg.gather [hbm4b:s1+s3], $0x80, v4, vm0, $0xb8;
	[tilespmem:$0x1B200] =	vst v63  }
0x1da: {  	s17 =	simm.s32 $0xE200  }
0x1db: {  	[tilespmem:s17], [sflag:$0x2] =	stream.indirect_vreg.gather [hbm4b:s5+s3], $0x80, v4, vm0, $0xb8;
	[tilespmem:$0x1B200] =	vst v63  }
0x1dc: {  	v3 =	vperm.xlane v3, v2  }
0x1dd: {  	[tilespmem:s4], [sflag:$0x2] =	stream.indirect_vreg.gather [hbm4b:s6+s3], $0x80, v4, vm0, $0xb8;
	[tilespmem:$0x1B200] =	vst v63  }
0x1de: {  	v3 =	vadd.s32 v1, v3  }
0x1df: {  	[tilespmem:s28], [sflag:$0x2] =	stream.indirect_vreg.gather [hbm4b:s7+s3], $0x80, v4, vm0, $0xb8;
	[tilespmem:$0x1B200] =	vst v63  }
0x1e0: {  	_ = 	snop  }
0x1e1: {  	[tilespmem:s29], [sflag:$0x2] =	stream.indirect_vreg.gather [hbm4b:s8+s3], $0x80, v4, vm1, $0xb8;
	[tilespmem:$0x1B200] =	vst v63  }
0x1e2: {  	s26 =	simm.s32 $0xFE00  }
0x1e3: {  	[tilespmem:s26], [sflag:$0x2] =	stream.indirect_vreg.gather [hbm4b:s1+s3], $0x80, v3, vm0, $0xb8;
	[tilespmem:$0x1B200] =	vst v63  }
0x1e4: {  	_ = 	snop  }
0x1e5: {  	[tilespmem:s18], [sflag:$0x2] =	stream.indirect_vreg.gather [hbm4b:s5+s3], $0x80, v3, vm0, $0xb8;
	[tilespmem:$0x1B200] =	vst v63  }
0x1e6: {  	_ = 	snop  }
0x1e7: {  	[tilespmem:s19], [sflag:$0x2] =	stream.indirect_vreg.gather [hbm4b:s6+s3], $0x80, v3, vm0, $0xb8;
	[tilespmem:$0x1B200] =	vst v63  }
0x1e8: {  	_ = 	snop  }
0x1e9: {  	[tilespmem:s20], [sflag:$0x2] =	stream.indirect_vreg.gather [hbm4b:s7+s3], $0x80, v3, vm0, $0xb8;
	[tilespmem:$0x1B200] =	vst v63  }
0x1ea: {  	s28 =	simm.s32 $0x11E00  }
0x1eb: {  	[tilespmem:s28], [sflag:$0x2] =	stream.indirect_vreg.gather [hbm4b:s8+s3], $0x80, v3, vm1, $0xb8;
	[tilespmem:$0x1B200] =	vst v63  }
0x1ec: {  	s2 =	rddreg [dreg:$0x15];
	_ =	swait.ge [sflag:s14], $0x9000  }
0x1ed: {  	[sflag:s14] =	ssyncset.done $0x0  }
0x1ee: {  	s30 =	simm.s32 $0x12200;
	s29 =	rddreg [dreg:$0x9];
	[sflag:s14] =	ssyncadd.s32 $0xFFFF7000  }
0x1ef: {  	[hbm4b:s29+s3] =	stream.linear.scatter [tilespmem:s30], [sflag:$0x6], $0x9000, $0x38;
	[tilespmem:$0x1B200] =	vst v63  }
0x1f0: {  	_ =	swait.ge [sflag:s15], $0x9000  }
0x1f1: {  	[sflag:s15] =	ssyncset.done $0x0  }
0x1f2: {  	[sflag:s15] =	ssyncadd.s32 $0xFFFF7000  }
0x1f3: {  	v3 =	vld [tilespmem:$0x100];
	_ =	sdelay $0x4  }
0x1f4: {  	v48 =	vshrl.u32 v3, $0x3  }
0x1f5: {  	v4 =	vmul.u32 $0x48, v48  }
0x1f6: {  	v3 =	vand.u32 $0x7, v3  }
0x1f7: {  	v3 =	vor.u32 v3, v4  }
0x1f8: {  	v4 =	vperm.xlane v3, v0;
	_ =	sdelay $0x1  }
0x1f9: {  	v4 =	vadd.s32 v1, v4;
	_ =	sdelay $0x4  }
0x1fa: {  	[tilespmem:s30], [sflag:$0x3] =	stream.indirect_vreg.gather [hbm4b:s1+s3], $0x80, v4, vm0, $0xb8;
	[tilespmem:$0x1B200] =	vst v63  }
0x1fb: {  	s18 =	simm.s32 $0x12A00  }
0x1fc: {  	[tilespmem:s18], [sflag:$0x3] =	stream.indirect_vreg.gather [hbm4b:s5+s3], $0x80, v4, vm0, $0xb8;
	[tilespmem:$0x1B200] =	vst v63  }
0x1fd: {  	s31 =	simm.s32 $0x13200;
	v3 =	vperm.xlane v3, v2  }
0x1fe: {  	[tilespmem:s31], [sflag:$0x3] =	stream.indirect_vreg.gather [hbm4b:s6+s3], $0x80, v4, vm0, $0xb8;
	[tilespmem:$0x1B200] =	vst v63  }
0x1ff: {  	s16 =	simm.s32 $0x13A00;
	v3 =	vadd.s32 v1, v3  }
0x200: {  	[tilespmem:s16], [sflag:$0x3] =	stream.indirect_vreg.gather [hbm4b:s7+s3], $0x80, v4, vm0, $0xb8;
	[tilespmem:$0x1B200] =	vst v63  }
0x201: {  	s19 =	simm.s32 $0x14200  }
0x202: {  	[tilespmem:s19], [sflag:$0x3] =	stream.indirect_vreg.gather [hbm4b:s8+s3], $0x80, v4, vm1, $0xb8;
	[tilespmem:$0x1B200] =	vst v63  }
0x203: {  	s20 =	simm.s32 $0x14600  }
0x204: {  	[tilespmem:s20], [sflag:$0x3] =	stream.indirect_vreg.gather [hbm4b:s1+s3], $0x80, v3, vm0, $0xb8;
	[tilespmem:$0x1B200] =	vst v63  }
0x205: {  	s21 =	simm.s32 $0x14E00  }
0x206: {  	[tilespmem:s21], [sflag:$0x3] =	stream.indirect_vreg.gather [hbm4b:s5+s3], $0x80, v3, vm0, $0xb8;
	[tilespmem:$0x1B200] =	vst v63  }
0x207: {  	s22 =	simm.s32 $0x15600  }
0x208: {  	[tilespmem:s22], [sflag:$0x3] =	stream.indirect_vreg.gather [hbm4b:s6+s3], $0x80, v3, vm0, $0xb8;
	[tilespmem:$0x1B200] =	vst v63  }
0x209: {  	s23 =	simm.s32 $0x15E00  }
0x20a: {  	[tilespmem:s23], [sflag:$0x3] =	stream.indirect_vreg.gather [hbm4b:s7+s3], $0x80, v3, vm0, $0xb8;
	[tilespmem:$0x1B200] =	vst v63  }
0x20b: {  	s24 =	simm.s32 $0x16600  }
0x20c: {  	[tilespmem:s24], [sflag:$0x3] =	stream.indirect_vreg.gather [hbm4b:s8+s3], $0x80, v3, vm1, $0xb8;
	[tilespmem:$0x1B200] =	vst v63  }
0x20d: {  	v3 =	vld [tilespmem:$0x110];
	_ =	sdelay $0x4  }
0x20e: {  	v49 =	vshrl.u32 v3, $0x3  }
0x20f: {  	v4 =	vmul.u32 $0x48, v49  }
0x210: {  	v3 =	vand.u32 $0x7, v3  }
0x211: {  	v3 =	vor.u32 v3, v4  }
0x212: {  	v4 =	vperm.xlane v3, v0;
	_ =	sdelay $0x1  }
0x213: {  	v4 =	vadd.s32 v1, v4;
	_ =	sdelay $0x3  }
0x214: {  	s25 =	simm.s32 $0x16A00  }
0x215: {  	[tilespmem:s25], [sflag:$0x3] =	stream.indirect_vreg.gather [hbm4b:s1+s3], $0x80, v4, vm0, $0xb8;
	[tilespmem:$0x1B200] =	vst v63  }
0x216: {  	s26 =	simm.s32 $0x17200  }
0x217: {  	[tilespmem:s26], [sflag:$0x3] =	stream.indirect_vreg.gather [hbm4b:s5+s3], $0x80, v4, vm0, $0xb8;
	[tilespmem:$0x1B200] =	vst v63  }
0x218: {  	s28 =	simm.s32 $0x17A00;
	v3 =	vperm.xlane v3, v2  }
0x219: {  	[tilespmem:s28], [sflag:$0x3] =	stream.indirect_vreg.gather [hbm4b:s6+s3], $0x80, v4, vm0, $0xb8;
	[tilespmem:$0x1B200] =	vst v63  }
0x21a: {  	s29 =	simm.s32 $0x18200;
	v3 =	vadd.s32 v1, v3  }
0x21b: {  	[tilespmem:s29], [sflag:$0x3] =	stream.indirect_vreg.gather [hbm4b:s7+s3], $0x80, v4, vm0, $0xb8;
	[tilespmem:$0x1B200] =	vst v63  }
0x21c: {  	s30 =	simm.s32 $0x18A00  }
0x21d: {  	[tilespmem:s30], [sflag:$0x3] =	stream.indirect_vreg.gather [hbm4b:s8+s3], $0x80, v4, vm1, $0xb8;
	[tilespmem:$0x1B200] =	vst v63  }
0x21e: {  	s31 =	simm.s32 $0x18E00  }
0x21f: {  	[tilespmem:s31], [sflag:$0x3] =	stream.indirect_vreg.gather [hbm4b:s1+s3], $0x80, v3, vm0, $0xb8;
	[tilespmem:$0x1B200] =	vst v63  }
0x220: {  	s16 =	simm.s32 $0x19600  }
0x221: {  	[tilespmem:s16], [sflag:$0x3] =	stream.indirect_vreg.gather [hbm4b:s5+s3], $0x80, v3, vm0, $0xb8;
	[tilespmem:$0x1B200] =	vst v63  }
0x222: {  	s19 =	simm.s32 $0x19E00  }
0x223: {  	[tilespmem:s19], [sflag:$0x3] =	stream.indirect_vreg.gather [hbm4b:s6+s3], $0x80, v3, vm0, $0xb8;
	[tilespmem:$0x1B200] =	vst v63  }
0x224: {  	s20 =	simm.s32 $0x1A600  }
0x225: {  	[tilespmem:s20], [sflag:$0x3] =	stream.indirect_vreg.gather [hbm4b:s7+s3], $0x80, v3, vm0, $0xb8;
	[tilespmem:$0x1B200] =	vst v63  }
0x226: {  	s21 =	simm.s32 $0x1AE00  }
0x227: {  	[tilespmem:s21], [sflag:$0x3] =	stream.indirect_vreg.gather [hbm4b:s8+s3], $0x80, v3, vm1, $0xb8;
	[tilespmem:$0x1B200] =	vst v63  }
0x228: {  	_ =	swait.ge [sflag:s0], $0x9000  }
0x229: {  	[sflag:s0] =	ssyncset.done $0x0  }
0x22a: {  	s23 =	simm.s32 $0x200;
	s22 =	rddreg [dreg:$0xa];
	[sflag:s0] =	ssyncadd.s32 $0xFFFF7000  }
0x22b: {  	[hbm4b:s22+s3] =	stream.linear.scatter [tilespmem:s23], [sflag:$0x4], $0x9000, $0x38;
	[tilespmem:$0x1B200] =	vst v63  }
0x22c: {  	_ =	swait.ge [sflag:s10], $0x9000  }
0x22d: {  	[sflag:s10] =	ssyncset.done $0x0  }
0x22e: {  	[sflag:s10] =	ssyncadd.s32 $0xFFFF7000  }
0x22f: {  	v3 =	vld [tilespmem:$0x120];
	_ =	sdelay $0x4  }
0x230: {  	v50 =	vshrl.u32 v3, $0x3  }
0x231: {  	v4 =	vmul.u32 $0x48, v50  }
0x232: {  	v3 =	vand.u32 $0x7, v3  }
0x233: {  	v3 =	vor.u32 v3, v4  }
0x234: {  	v4 =	vperm.xlane v3, v0;
	_ =	sdelay $0x1  }
0x235: {  	v4 =	vadd.s32 v1, v4;
	_ =	sdelay $0x4  }
0x236: {  	[tilespmem:s23], [sflag:$0x1] =	stream.indirect_vreg.gather [hbm4b:s1+s3], $0x80, v4, vm0, $0xb8;
	[tilespmem:$0x1B200] =	vst v63  }
0x237: {  	s4 =	simm.s32 $0xA00  }
0x238: {  	[tilespmem:s4], [sflag:$0x1] =	stream.indirect_vreg.gather [hbm4b:s5+s3], $0x80, v4, vm0, $0xb8;
	[tilespmem:$0x1B200] =	vst v63  }
0x239: {  	s30 =	simm.s32 $0x1200;
	v3 =	vperm.xlane v3, v2  }
0x23a: {  	[tilespmem:s30], [sflag:$0x1] =	stream.indirect_vreg.gather [hbm4b:s6+s3], $0x80, v4, vm0, $0xb8;
	[tilespmem:$0x1B200] =	vst v63  }
0x23b: {  	s22 =	simm.s32 $0x1A00;
	v3 =	vadd.s32 v1, v3  }
0x23c: {  	[tilespmem:s22], [sflag:$0x1] =	stream.indirect_vreg.gather [hbm4b:s7+s3], $0x80, v4, vm0, $0xb8;
	[tilespmem:$0x1B200] =	vst v63  }
0x23d: {  	s24 =	simm.s32 $0x2200  }
0x23e: {  	[tilespmem:s24], [sflag:$0x1] =	stream.indirect_vreg.gather [hbm4b:s8+s3], $0x80, v4, vm1, $0xb8;
	[tilespmem:$0x1B200] =	vst v63  }
0x23f: {  	s25 =	simm.s32 $0x2600  }
0x240: {  	[tilespmem:s25], [sflag:$0x1] =	stream.indirect_vreg.gather [hbm4b:s1+s3], $0x80, v3, vm0, $0xb8;
	[tilespmem:$0x1B200] =	vst v63  }
0x241: {  	s26 =	simm.s32 $0x2E00  }
0x242: {  	[tilespmem:s26], [sflag:$0x1] =	stream.indirect_vreg.gather [hbm4b:s5+s3], $0x80, v3, vm0, $0xb8;
	[tilespmem:$0x1B200] =	vst v63  }
0x243: {  	s19 =	simm.s32 $0x3600  }
0x244: {  	[tilespmem:s19], [sflag:$0x1] =	stream.indirect_vreg.gather [hbm4b:s6+s3], $0x80, v3, vm0, $0xb8;
	[tilespmem:$0x1B200] =	vst v63  }
0x245: {  	s20 =	simm.s32 $0x3E00  }
0x246: {  	[tilespmem:s20], [sflag:$0x1] =	stream.indirect_vreg.gather [hbm4b:s7+s3], $0x80, v3, vm0, $0xb8;
	[tilespmem:$0x1B200] =	vst v63  }
0x247: {  	s31 =	simm.s32 $0x4600  }
0x248: {  	[tilespmem:s31], [sflag:$0x1] =	stream.indirect_vreg.gather [hbm4b:s8+s3], $0x80, v3, vm1, $0xb8;
	[tilespmem:$0x1B200] =	vst v63  }
0x249: {  	v3 =	vld [tilespmem:$0x130];
	_ =	sdelay $0x4  }
0x24a: {  	v51 =	vshrl.u32 v3, $0x3  }
0x24b: {  	v4 =	vmul.u32 $0x48, v51  }
0x24c: {  	v3 =	vand.u32 $0x7, v3  }
0x24d: {  	v3 =	vor.u32 v3, v4  }
0x24e: {  	v4 =	vperm.xlane v3, v0;
	_ =	sdelay $0x1  }
0x24f: {  	v4 =	vadd.s32 v1, v4;
	_ =	sdelay $0x3  }
0x250: {  	s21 =	simm.s32 $0x4A00  }
0x251: {  	[tilespmem:s21], [sflag:$0x1] =	stream.indirect_vreg.gather [hbm4b:s1+s3], $0x80, v4, vm0, $0xb8;
	[tilespmem:$0x1B200] =	vst v63  }
0x252: {  	s28 =	simm.s32 $0x5200  }
0x253: {  	[tilespmem:s28], [sflag:$0x1] =	stream.indirect_vreg.gather [hbm4b:s5+s3], $0x80, v4, vm0, $0xb8;
	[tilespmem:$0x1B200] =	vst v63  }
0x254: {  	s29 =	simm.s32 $0x5A00;
	v3 =	vperm.xlane v3, v2  }
0x255: {  	[tilespmem:s29], [sflag:$0x1] =	stream.indirect_vreg.gather [hbm4b:s6+s3], $0x80, v4, vm0, $0xb8;
	[tilespmem:$0x1B200] =	vst v63  }
0x256: {  	s23 =	simm.s32 $0x6200;
	v3 =	vadd.s32 v1, v3  }
0x257: {  	[tilespmem:s23], [sflag:$0x1] =	stream.indirect_vreg.gather [hbm4b:s7+s3], $0x80, v4, vm0, $0xb8;
	[tilespmem:$0x1B200] =	vst v63  }
0x258: {  	s24 =	simm.s32 $0x6A00  }
0x259: {  	[tilespmem:s24], [sflag:$0x1] =	stream.indirect_vreg.gather [hbm4b:s8+s3], $0x80, v4, vm1, $0xb8;
	[tilespmem:$0x1B200] =	vst v63  }
0x25a: {  	s25 =	simm.s32 $0x6E00  }
0x25b: {  	[tilespmem:s25], [sflag:$0x1] =	stream.indirect_vreg.gather [hbm4b:s1+s3], $0x80, v3, vm0, $0xb8;
	[tilespmem:$0x1B200] =	vst v63  }
0x25c: {  	s26 =	simm.s32 $0x7600  }
0x25d: {  	[tilespmem:s26], [sflag:$0x1] =	stream.indirect_vreg.gather [hbm4b:s5+s3], $0x80, v3, vm0, $0xb8;
	[tilespmem:$0x1B200] =	vst v63  }
0x25e: {  	s28 =	simm.s32 $0x7E00  }
0x25f: {  	[tilespmem:s28], [sflag:$0x1] =	stream.indirect_vreg.gather [hbm4b:s6+s3], $0x80, v3, vm0, $0xb8;
	[tilespmem:$0x1B200] =	vst v63  }
0x260: {  	s29 =	simm.s32 $0x8600  }
0x261: {  	[tilespmem:s29], [sflag:$0x1] =	stream.indirect_vreg.gather [hbm4b:s7+s3], $0x80, v3, vm0, $0xb8;
	[tilespmem:$0x1B200] =	vst v63  }
0x262: {  	s16 =	simm.s32 $0x8E00  }
0x263: {  	[tilespmem:s16], [sflag:$0x1] =	stream.indirect_vreg.gather [hbm4b:s8+s3], $0x80, v3, vm1, $0xb8;
	[tilespmem:$0x1B200] =	vst v63  }
0x264: {  	_ =	swait.ge [sflag:s12], $0x9000  }
0x265: {  	[sflag:s12] =	ssyncset.done $0x0  }
0x266: {  	s9 =	simm.s32 $0x9200;
	s16 =	rddreg [dreg:$0xb];
	[sflag:s12] =	ssyncadd.s32 $0xFFFF7000  }
0x267: {  	[hbm4b:s16+s3] =	stream.linear.scatter [tilespmem:s9], [sflag:$0x5], $0x9000, $0x38;
	[tilespmem:$0x1B200] =	vst v63  }
0x268: {  	_ =	swait.ge [sflag:s13], $0x9000  }
0x269: {  	[sflag:s13] =	ssyncset.done $0x0  }
0x26a: {  	[sflag:s13] =	ssyncadd.s32 $0xFFFF7000  }
0x26b: {  	v3 =	vld [tilespmem:$0x140];
	_ =	sdelay $0x4  }
0x26c: {  	v52 =	vshrl.u32 v3, $0x3  }
0x26d: {  	v4 =	vmul.u32 $0x48, v52  }
0x26e: {  	v3 =	vand.u32 $0x7, v3  }
0x26f: {  	v3 =	vor.u32 v3, v4  }
0x270: {  	v4 =	vperm.xlane v3, v0;
	_ =	sdelay $0x1  }
0x271: {  	v4 =	vadd.s32 v1, v4;
	_ =	sdelay $0x4  }
0x272: {  	[tilespmem:s9], [sflag:$0x2] =	stream.indirect_vreg.gather [hbm4b:s1+s3], $0x80, v4, vm0, $0xb8;
	[tilespmem:$0x1B200] =	vst v63  }
0x273: {  	s16 =	simm.s32 $0x9A00  }
0x274: {  	[tilespmem:s16], [sflag:$0x2] =	stream.indirect_vreg.gather [hbm4b:s5+s3], $0x80, v4, vm0, $0xb8;
	[tilespmem:$0x1B200] =	vst v63  }
0x275: {  	v3 =	vperm.xlane v3, v2;
	s16 =	simm.s32 $0xA200  }
0x276: {  	[tilespmem:s16], [sflag:$0x2] =	stream.indirect_vreg.gather [hbm4b:s6+s3], $0x80, v4, vm0, $0xb8;
	[tilespmem:$0x1B200] =	vst v63  }
0x277: {  	v3 =	vadd.s32 v1, v3;
	s16 =	simm.s32 $0xAA00  }
0x278: {  	[tilespmem:s16], [sflag:$0x2] =	stream.indirect_vreg.gather [hbm4b:s7+s3], $0x80, v4, vm0, $0xb8;
	[tilespmem:$0x1B200] =	vst v63  }
0x279: {  	s9 =	simm.s32 $0xB200  }
0x27a: {  	[tilespmem:s9], [sflag:$0x2] =	stream.indirect_vreg.gather [hbm4b:s8+s3], $0x80, v4, vm1, $0xb8;
	[tilespmem:$0x1B200] =	vst v63  }
0x27b: {  	s16 =	simm.s32 $0xB600  }
0x27c: {  	[tilespmem:s16], [sflag:$0x2] =	stream.indirect_vreg.gather [hbm4b:s1+s3], $0x80, v3, vm0, $0xb8;
	[tilespmem:$0x1B200] =	vst v63  }
0x27d: {  	s16 =	simm.s32 $0xBE00  }
0x27e: {  	[tilespmem:s16], [sflag:$0x2] =	stream.indirect_vreg.gather [hbm4b:s5+s3], $0x80, v3, vm0, $0xb8;
	[tilespmem:$0x1B200] =	vst v63  }
0x27f: {  	s16 =	simm.s32 $0xC600  }
0x280: {  	[tilespmem:s16], [sflag:$0x2] =	stream.indirect_vreg.gather [hbm4b:s6+s3], $0x80, v3, vm0, $0xb8;
	[tilespmem:$0x1B200] =	vst v63  }
0x281: {  	s16 =	simm.s32 $0xCE00  }
0x282: {  	[tilespmem:s16], [sflag:$0x2] =	stream.indirect_vreg.gather [hbm4b:s7+s3], $0x80, v3, vm0, $0xb8;
	[tilespmem:$0x1B200] =	vst v63  }
0x283: {  	s16 =	simm.s32 $0xD600  }
0x284: {  	[tilespmem:s16], [sflag:$0x2] =	stream.indirect_vreg.gather [hbm4b:s8+s3], $0x80, v3, vm1, $0xb8;
	[tilespmem:$0x1B200] =	vst v63  }
0x285: {  	v3 =	vld [tilespmem:$0x150];
	_ =	sdelay $0x4  }
0x286: {  	v53 =	vshrl.u32 v3, $0x3  }
0x287: {  	v4 =	vmul.u32 $0x48, v53  }
0x288: {  	v3 =	vand.u32 $0x7, v3  }
0x289: {  	v3 =	vor.u32 v3, v4  }
0x28a: {  	v4 =	vperm.xlane v3, v0;
	_ =	sdelay $0x1  }
0x28b: {  	v4 =	vadd.s32 v1, v4;
	_ =	sdelay $0x3  }
0x28c: {  	s16 =	simm.s32 $0xDA00  }
0x28d: {  	[tilespmem:s16], [sflag:$0x2] =	stream.indirect_vreg.gather [hbm4b:s1+s3], $0x80, v4, vm0, $0xb8;
	[tilespmem:$0x1B200] =	vst v63  }
0x28e: {  	_ = 	snop  }
0x28f: {  	[tilespmem:s17], [sflag:$0x2] =	stream.indirect_vreg.gather [hbm4b:s5+s3], $0x80, v4, vm0, $0xb8;
	[tilespmem:$0x1B200] =	vst v63  }
0x290: {  	v3 =	vperm.xlane v3, v2;
	s17 =	simm.s32 $0xEA00  }
0x291: {  	[tilespmem:s17], [sflag:$0x2] =	stream.indirect_vreg.gather [hbm4b:s6+s3], $0x80, v4, vm0, $0xb8;
	[tilespmem:$0x1B200] =	vst v63  }
0x292: {  	v3 =	vadd.s32 v1, v3;
	s17 =	simm.s32 $0xF200  }
0x293: {  	[tilespmem:s17], [sflag:$0x2] =	stream.indirect_vreg.gather [hbm4b:s7+s3], $0x80, v4, vm0, $0xb8;
	[tilespmem:$0x1B200] =	vst v63  }
0x294: {  	s17 =	simm.s32 $0xFA00  }
0x295: {  	[tilespmem:s17], [sflag:$0x2] =	stream.indirect_vreg.gather [hbm4b:s8+s3], $0x80, v4, vm1, $0xb8;
	[tilespmem:$0x1B200] =	vst v63  }
0x296: {  	s17 =	simm.s32 $0xFE00  }
0x297: {  	[tilespmem:s17], [sflag:$0x2] =	stream.indirect_vreg.gather [hbm4b:s1+s3], $0x80, v3, vm0, $0xb8;
	[tilespmem:$0x1B200] =	vst v63  }
0x298: {  	s17 =	simm.s32 $0x10600  }
0x299: {  	[tilespmem:s17], [sflag:$0x2] =	stream.indirect_vreg.gather [hbm4b:s5+s3], $0x80, v3, vm0, $0xb8;
	[tilespmem:$0x1B200] =	vst v63  }
0x29a: {  	s17 =	simm.s32 $0x10E00  }
0x29b: {  	[tilespmem:s17], [sflag:$0x2] =	stream.indirect_vreg.gather [hbm4b:s6+s3], $0x80, v3, vm0, $0xb8;
	[tilespmem:$0x1B200] =	vst v63  }
0x29c: {  	s17 =	simm.s32 $0x11600  }
0x29d: {  	[tilespmem:s17], [sflag:$0x2] =	stream.indirect_vreg.gather [hbm4b:s7+s3], $0x80, v3, vm0, $0xb8;
	[tilespmem:$0x1B200] =	vst v63  }
0x29e: {  	s17 =	simm.s32 $0x11E00  }
0x29f: {  	[tilespmem:s17], [sflag:$0x2] =	stream.indirect_vreg.gather [hbm4b:s8+s3], $0x80, v3, vm1, $0xb8;
	[tilespmem:$0x1B200] =	vst v63  }
0x2a0: {  	_ =	swait.ge [sflag:s14], $0x9000  }
0x2a1: {  	[sflag:s14] =	ssyncset.done $0x0  }
0x2a2: {  	s11 =	simm.s32 $0x12200;
	s17 =	rddreg [dreg:$0xc];
	[sflag:s14] =	ssyncadd.s32 $0xFFFF7000  }
0x2a3: {  	[hbm4b:s17+s3] =	stream.linear.scatter [tilespmem:s11], [sflag:$0x6], $0x9000, $0x38;
	[tilespmem:$0x1B200] =	vst v63  }
0x2a4: {  	_ =	swait.ge [sflag:s15], $0x9000  }
0x2a5: {  	[sflag:s15] =	ssyncset.done $0x0  }
0x2a6: {  	[sflag:s15] =	ssyncadd.s32 $0xFFFF7000  }
0x2a7: {  	v3 =	vld [tilespmem:$0x160];
	_ =	sdelay $0x4  }
0x2a8: {  	v54 =	vshrl.u32 v3, $0x3  }
0x2a9: {  	v4 =	vmul.u32 $0x48, v54  }
0x2aa: {  	v3 =	vand.u32 $0x7, v3  }
0x2ab: {  	v3 =	vor.u32 v3, v4  }
0x2ac: {  	v4 =	vperm.xlane v3, v0;
	_ =	sdelay $0x1  }
0x2ad: {  	v4 =	vadd.s32 v1, v4;
	_ =	sdelay $0x4  }
0x2ae: {  	[tilespmem:s11], [sflag:$0x3] =	stream.indirect_vreg.gather [hbm4b:s1+s3], $0x80, v4, vm0, $0xb8;
	[tilespmem:$0x1B200] =	vst v63  }
0x2af: {  	_ = 	snop  }
0x2b0: {  	[tilespmem:s18], [sflag:$0x3] =	stream.indirect_vreg.gather [hbm4b:s5+s3], $0x80, v4, vm0, $0xb8;
	[tilespmem:$0x1B200] =	vst v63  }
0x2b1: {  	s16 =	simm.s32 $0x13200;
	v3 =	vperm.xlane v3, v2  }
0x2b2: {  	[tilespmem:s16], [sflag:$0x3] =	stream.indirect_vreg.gather [hbm4b:s6+s3], $0x80, v4, vm0, $0xb8;
	[tilespmem:$0x1B200] =	vst v63  }
0x2b3: {  	s17 =	simm.s32 $0x13A00;
	v3 =	vadd.s32 v1, v3  }
0x2b4: {  	[tilespmem:s17], [sflag:$0x3] =	stream.indirect_vreg.gather [hbm4b:s7+s3], $0x80, v4, vm0, $0xb8;
	[tilespmem:$0x1B200] =	vst v63  }
0x2b5: {  	s18 =	simm.s32 $0x14200  }
0x2b6: {  	[tilespmem:s18], [sflag:$0x3] =	stream.indirect_vreg.gather [hbm4b:s8+s3], $0x80, v4, vm1, $0xb8;
	[tilespmem:$0x1B200] =	vst v63  }
0x2b7: {  	s11 =	simm.s32 $0x14600  }
0x2b8: {  	[tilespmem:s11], [sflag:$0x3] =	stream.indirect_vreg.gather [hbm4b:s1+s3], $0x80, v3, vm0, $0xb8;
	[tilespmem:$0x1B200] =	vst v63  }
0x2b9: {  	s17 =	simm.s32 $0x14E00  }
0x2ba: {  	[tilespmem:s17], [sflag:$0x3] =	stream.indirect_vreg.gather [hbm4b:s5+s3], $0x80, v3, vm0, $0xb8;
	[tilespmem:$0x1B200] =	vst v63  }
0x2bb: {  	s18 =	simm.s32 $0x15600  }
0x2bc: {  	[tilespmem:s18], [sflag:$0x3] =	stream.indirect_vreg.gather [hbm4b:s6+s3], $0x80, v3, vm0, $0xb8;
	[tilespmem:$0x1B200] =	vst v63  }
0x2bd: {  	s11 =	simm.s32 $0x15E00  }
0x2be: {  	[tilespmem:s11], [sflag:$0x3] =	stream.indirect_vreg.gather [hbm4b:s7+s3], $0x80, v3, vm0, $0xb8;
	[tilespmem:$0x1B200] =	vst v63  }
0x2bf: {  	s16 =	simm.s32 $0x16600  }
0x2c0: {  	[tilespmem:s16], [sflag:$0x3] =	stream.indirect_vreg.gather [hbm4b:s8+s3], $0x80, v3, vm1, $0xb8;
	[tilespmem:$0x1B200] =	vst v63  }
0x2c1: {  	v3 =	vld [tilespmem:$0x170];
	_ =	sdelay $0x4  }
0x2c2: {  	v55 =	vshrl.u32 v3, $0x3  }
0x2c3: {  	v4 =	vmul.u32 $0x48, v55  }
0x2c4: {  	v3 =	vand.u32 $0x7, v3  }
0x2c5: {  	v3 =	vor.u32 v3, v4  }
0x2c6: {  	v4 =	vperm.xlane v3, v0;
	_ =	sdelay $0x1  }
0x2c7: {  	v4 =	vadd.s32 v1, v4;
	_ =	sdelay $0x3  }
0x2c8: {  	s17 =	simm.s32 $0x16A00  }
0x2c9: {  	[tilespmem:s17], [sflag:$0x3] =	stream.indirect_vreg.gather [hbm4b:s1+s3], $0x80, v4, vm0, $0xb8;
	[tilespmem:$0x1B200] =	vst v63  }
0x2ca: {  	s18 =	simm.s32 $0x17200  }
0x2cb: {  	[tilespmem:s18], [sflag:$0x3] =	stream.indirect_vreg.gather [hbm4b:s5+s3], $0x80, v4, vm0, $0xb8;
	[tilespmem:$0x1B200] =	vst v63  }
0x2cc: {  	s16 =	simm.s32 $0x17A00;
	v3 =	vperm.xlane v3, v2  }
0x2cd: {  	[tilespmem:s16], [sflag:$0x3] =	stream.indirect_vreg.gather [hbm4b:s6+s3], $0x80, v4, vm0, $0xb8;
	[tilespmem:$0x1B200] =	vst v63  }
0x2ce: {  	v3 =	vadd.s32 v1, v3;
	s17 =	simm.s32 $0x18200  }
0x2cf: {  	[tilespmem:s17], [sflag:$0x3] =	stream.indirect_vreg.gather [hbm4b:s7+s3], $0x80, v4, vm0, $0xb8;
	[tilespmem:$0x1B200] =	vst v63  }
0x2d0: {  	s18 =	simm.s32 $0x18A00  }
0x2d1: {  	[tilespmem:s18], [sflag:$0x3] =	stream.indirect_vreg.gather [hbm4b:s8+s3], $0x80, v4, vm1, $0xb8;
	[tilespmem:$0x1B200] =	vst v63  }
0x2d2: {  	s11 =	simm.s32 $0x18E00  }
0x2d3: {  	[tilespmem:s11], [sflag:$0x3] =	stream.indirect_vreg.gather [hbm4b:s1+s3], $0x80, v3, vm0, $0xb8;
	[tilespmem:$0x1B200] =	vst v63  }
0x2d4: {  	s17 =	simm.s32 $0x19600  }
0x2d5: {  	[tilespmem:s17], [sflag:$0x3] =	stream.indirect_vreg.gather [hbm4b:s5+s3], $0x80, v3, vm0, $0xb8;
	[tilespmem:$0x1B200] =	vst v63  }
0x2d6: {  	s18 =	simm.s32 $0x19E00  }
0x2d7: {  	[tilespmem:s18], [sflag:$0x3] =	stream.indirect_vreg.gather [hbm4b:s6+s3], $0x80, v3, vm0, $0xb8;
	[tilespmem:$0x1B200] =	vst v63  }
0x2d8: {  	s11 =	simm.s32 $0x1A600  }
0x2d9: {  	[tilespmem:s11], [sflag:$0x3] =	stream.indirect_vreg.gather [hbm4b:s7+s3], $0x80, v3, vm0, $0xb8;
	[tilespmem:$0x1B200] =	vst v63  }
0x2da: {  	s16 =	simm.s32 $0x1AE00  }
0x2db: {  	[tilespmem:s16], [sflag:$0x3] =	stream.indirect_vreg.gather [hbm4b:s8+s3], $0x80, v3, vm1, $0xb8;
	[tilespmem:$0x1B200] =	vst v63  }
0x2dc: {  	_ =	swait.ge [sflag:s0], $0x9000  }
0x2dd: {  	[sflag:s0] =	ssyncset.done $0x0  }
0x2de: {  	s18 =	simm.s32 $0x200;
	s17 =	rddreg [dreg:$0xd];
	[sflag:s0] =	ssyncadd.s32 $0xFFFF7000  }
0x2df: {  	[hbm4b:s17+s3] =	stream.linear.scatter [tilespmem:s18], [sflag:$0x4], $0x9000, $0x38;
	[tilespmem:$0x1B200] =	vst v63  }
0x2e0: {  	_ =	swait.ge [sflag:s10], $0x9000  }
0x2e1: {  	[sflag:s10] =	ssyncset.done $0x0  }
0x2e2: {  	[sflag:s10] =	ssyncadd.s32 $0xFFFF7000  }
0x2e3: {  	v3 =	vld [tilespmem:$0x180];
	_ =	sdelay $0x4  }
0x2e4: {  	v56 =	vshrl.u32 v3, $0x3  }
0x2e5: {  	v4 =	vmul.u32 $0x48, v56  }
0x2e6: {  	v3 =	vand.u32 $0x7, v3  }
0x2e7: {  	v3 =	vor.u32 v3, v4  }
0x2e8: {  	v4 =	vperm.xlane v3, v0;
	_ =	sdelay $0x1  }
0x2e9: {  	v4 =	vadd.s32 v1, v4;
	_ =	sdelay $0x4  }
0x2ea: {  	[tilespmem:s18], [sflag:$0x1] =	stream.indirect_vreg.gather [hbm4b:s1+s3], $0x80, v4, vm0, $0xb8;
	[tilespmem:$0x1B200] =	vst v63  }
0x2eb: {  	_ = 	snop  }
0x2ec: {  	[tilespmem:s4], [sflag:$0x1] =	stream.indirect_vreg.gather [hbm4b:s5+s3], $0x80, v4, vm0, $0xb8;
	[tilespmem:$0x1B200] =	vst v63  }
0x2ed: {  	v3 =	vperm.xlane v3, v2  }
0x2ee: {  	[tilespmem:s30], [sflag:$0x1] =	stream.indirect_vreg.gather [hbm4b:s6+s3], $0x80, v4, vm0, $0xb8;
	[tilespmem:$0x1B200] =	vst v63  }
0x2ef: {  	v3 =	vadd.s32 v1, v3  }
0x2f0: {  	[tilespmem:s22], [sflag:$0x1] =	stream.indirect_vreg.gather [hbm4b:s7+s3], $0x80, v4, vm0, $0xb8;
	[tilespmem:$0x1B200] =	vst v63  }
0x2f1: {  	s16 =	simm.s32 $0x2200  }
0x2f2: {  	[tilespmem:s16], [sflag:$0x1] =	stream.indirect_vreg.gather [hbm4b:s8+s3], $0x80, v4, vm1, $0xb8;
	[tilespmem:$0x1B200] =	vst v63  }
0x2f3: {  	s18 =	simm.s32 $0x2600  }
0x2f4: {  	[tilespmem:s18], [sflag:$0x1] =	stream.indirect_vreg.gather [hbm4b:s1+s3], $0x80, v3, vm0, $0xb8;
	[tilespmem:$0x1B200] =	vst v63  }
0x2f5: {  	s22 =	simm.s32 $0x2E00  }
0x2f6: {  	[tilespmem:s22], [sflag:$0x1] =	stream.indirect_vreg.gather [hbm4b:s5+s3], $0x80, v3, vm0, $0xb8;
	[tilespmem:$0x1B200] =	vst v63  }
0x2f7: {  	_ = 	snop  }
0x2f8: {  	[tilespmem:s19], [sflag:$0x1] =	stream.indirect_vreg.gather [hbm4b:s6+s3], $0x80, v3, vm0, $0xb8;
	[tilespmem:$0x1B200] =	vst v63  }
0x2f9: {  	_ = 	snop  }
0x2fa: {  	[tilespmem:s20], [sflag:$0x1] =	stream.indirect_vreg.gather [hbm4b:s7+s3], $0x80, v3, vm0, $0xb8;
	[tilespmem:$0x1B200] =	vst v63  }
0x2fb: {  	_ = 	snop  }
0x2fc: {  	[tilespmem:s31], [sflag:$0x1] =	stream.indirect_vreg.gather [hbm4b:s8+s3], $0x80, v3, vm1, $0xb8;
	[tilespmem:$0x1B200] =	vst v63  }
0x2fd: {  	v3 =	vld [tilespmem:$0x190];
	_ =	sdelay $0x4  }
0x2fe: {  	v57 =	vshrl.u32 v3, $0x3  }
0x2ff: {  	v4 =	vmul.u32 $0x48, v57  }
0x300: {  	v3 =	vand.u32 $0x7, v3  }
0x301: {  	v3 =	vor.u32 v3, v4  }
0x302: {  	v4 =	vperm.xlane v3, v0;
	_ =	sdelay $0x1  }
0x303: {  	v4 =	vadd.s32 v1, v4;
	_ =	sdelay $0x4  }
0x304: {  	[tilespmem:s21], [sflag:$0x1] =	stream.indirect_vreg.gather [hbm4b:s1+s3], $0x80, v4, vm0, $0xb8;
	[tilespmem:$0x1B200] =	vst v63  }
0x305: {  	s4 =	simm.s32 $0x5200  }
0x306: {  	[tilespmem:s4], [sflag:$0x1] =	stream.indirect_vreg.gather [hbm4b:s5+s3], $0x80, v4, vm0, $0xb8;
	[tilespmem:$0x1B200] =	vst v63  }
0x307: {  	s22 =	simm.s32 $0x5A00;
	v3 =	vperm.xlane v3, v2  }
0x308: {  	[tilespmem:s22], [sflag:$0x1] =	stream.indirect_vreg.gather [hbm4b:s6+s3], $0x80, v4, vm0, $0xb8;
	[tilespmem:$0x1B200] =	vst v63  }
0x309: {  	v3 =	vadd.s32 v1, v3  }
0x30a: {  	[tilespmem:s23], [sflag:$0x1] =	stream.indirect_vreg.gather [hbm4b:s7+s3], $0x80, v4, vm0, $0xb8;
	[tilespmem:$0x1B200] =	vst v63  }
0x30b: {  	_ = 	snop  }
0x30c: {  	[tilespmem:s24], [sflag:$0x1] =	stream.indirect_vreg.gather [hbm4b:s8+s3], $0x80, v4, vm1, $0xb8;
	[tilespmem:$0x1B200] =	vst v63  }
0x30d: {  	_ = 	snop  }
0x30e: {  	[tilespmem:s25], [sflag:$0x1] =	stream.indirect_vreg.gather [hbm4b:s1+s3], $0x80, v3, vm0, $0xb8;
	[tilespmem:$0x1B200] =	vst v63  }
0x30f: {  	_ = 	snop  }
0x310: {  	[tilespmem:s26], [sflag:$0x1] =	stream.indirect_vreg.gather [hbm4b:s5+s3], $0x80, v3, vm0, $0xb8;
	[tilespmem:$0x1B200] =	vst v63  }
0x311: {  	_ = 	snop  }
0x312: {  	[tilespmem:s28], [sflag:$0x1] =	stream.indirect_vreg.gather [hbm4b:s6+s3], $0x80, v3, vm0, $0xb8;
	[tilespmem:$0x1B200] =	vst v63  }
0x313: {  	_ = 	snop  }
0x314: {  	[tilespmem:s29], [sflag:$0x1] =	stream.indirect_vreg.gather [hbm4b:s7+s3], $0x80, v3, vm0, $0xb8;
	[tilespmem:$0x1B200] =	vst v63  }
0x315: {  	s4 =	simm.s32 $0x8E00  }
0x316: {  	[tilespmem:s4], [sflag:$0x1] =	stream.indirect_vreg.gather [hbm4b:s8+s3], $0x80, v3, vm1, $0xb8;
	[tilespmem:$0x1B200] =	vst v63  }
0x317: {  	_ =	swait.ge [sflag:s12], $0x9000  }
0x318: {  	[sflag:s12] =	ssyncset.done $0x0  }
0x319: {  	s4 =	simm.s32 $0x9200;
	s16 =	rddreg [dreg:$0xe];
	[sflag:s12] =	ssyncadd.s32 $0xFFFF7000  }
0x31a: {  	[hbm4b:s16+s3] =	stream.linear.scatter [tilespmem:s4], [sflag:$0x5], $0x9000, $0x38;
	[tilespmem:$0x1B200] =	vst v63  }
0x31b: {  	_ =	swait.ge [sflag:s13], $0x9000  }
0x31c: {  	[sflag:s13] =	ssyncset.done $0x0  }
0x31d: {  	[sflag:s13] =	ssyncadd.s32 $0xFFFF7000  }
0x31e: {  	v3 =	vld [tilespmem:$0x1A0];
	_ =	sdelay $0x4  }
0x31f: {  	v58 =	vshrl.u32 v3, $0x3  }
0x320: {  	v4 =	vmul.u32 $0x48, v58  }
0x321: {  	v3 =	vand.u32 $0x7, v3  }
0x322: {  	v3 =	vor.u32 v3, v4  }
0x323: {  	v4 =	vperm.xlane v3, v0;
	_ =	sdelay $0x1  }
0x324: {  	v4 =	vadd.s32 v1, v4;
	_ =	sdelay $0x4  }
0x325: {  	[tilespmem:s4], [sflag:$0x2] =	stream.indirect_vreg.gather [hbm4b:s1+s3], $0x80, v4, vm0, $0xb8;
	[tilespmem:$0x1B200] =	vst v63  }
0x326: {  	s16 =	simm.s32 $0x9A00  }
0x327: {  	[tilespmem:s16], [sflag:$0x2] =	stream.indirect_vreg.gather [hbm4b:s5+s3], $0x80, v4, vm0, $0xb8;
	[tilespmem:$0x1B200] =	vst v63  }
0x328: {  	v3 =	vperm.xlane v3, v2;
	s16 =	simm.s32 $0xA200  }
0x329: {  	[tilespmem:s16], [sflag:$0x2] =	stream.indirect_vreg.gather [hbm4b:s6+s3], $0x80, v4, vm0, $0xb8;
	[tilespmem:$0x1B200] =	vst v63  }
0x32a: {  	v3 =	vadd.s32 v1, v3;
	s16 =	simm.s32 $0xAA00  }
0x32b: {  	[tilespmem:s16], [sflag:$0x2] =	stream.indirect_vreg.gather [hbm4b:s7+s3], $0x80, v4, vm0, $0xb8;
	[tilespmem:$0x1B200] =	vst v63  }
0x32c: {  	_ = 	snop  }
0x32d: {  	[tilespmem:s9], [sflag:$0x2] =	stream.indirect_vreg.gather [hbm4b:s8+s3], $0x80, v4, vm1, $0xb8;
	[tilespmem:$0x1B200] =	vst v63  }
0x32e: {  	s16 =	simm.s32 $0xB600  }
0x32f: {  	[tilespmem:s16], [sflag:$0x2] =	stream.indirect_vreg.gather [hbm4b:s1+s3], $0x80, v3, vm0, $0xb8;
	[tilespmem:$0x1B200] =	vst v63  }
0x330: {  	s16 =	simm.s32 $0xBE00  }
0x331: {  	[tilespmem:s16], [sflag:$0x2] =	stream.indirect_vreg.gather [hbm4b:s5+s3], $0x80, v3, vm0, $0xb8;
	[tilespmem:$0x1B200] =	vst v63  }
0x332: {  	s16 =	simm.s32 $0xC600  }
0x333: {  	[tilespmem:s16], [sflag:$0x2] =	stream.indirect_vreg.gather [hbm4b:s6+s3], $0x80, v3, vm0, $0xb8;
	[tilespmem:$0x1B200] =	vst v63  }
0x334: {  	s16 =	simm.s32 $0xCE00  }
0x335: {  	[tilespmem:s16], [sflag:$0x2] =	stream.indirect_vreg.gather [hbm4b:s7+s3], $0x80, v3, vm0, $0xb8;
	[tilespmem:$0x1B200] =	vst v63  }
0x336: {  	s16 =	simm.s32 $0xD600  }
0x337: {  	[tilespmem:s16], [sflag:$0x2] =	stream.indirect_vreg.gather [hbm4b:s8+s3], $0x80, v3, vm1, $0xb8;
	[tilespmem:$0x1B200] =	vst v63  }
0x338: {  	v3 =	vld [tilespmem:$0x1B0];
	_ =	sdelay $0x4  }
0x339: {  	v59 =	vshrl.u32 v3, $0x3  }
0x33a: {  	v4 =	vmul.u32 $0x48, v59  }
0x33b: {  	v3 =	vand.u32 $0x7, v3  }
0x33c: {  	v3 =	vor.u32 v3, v4  }
0x33d: {  	v4 =	vperm.xlane v3, v0;
	_ =	sdelay $0x1  }
0x33e: {  	v4 =	vadd.s32 v1, v4;
	_ =	sdelay $0x3  }
0x33f: {  	s16 =	simm.s32 $0xDA00  }
0x340: {  	[tilespmem:s16], [sflag:$0x2] =	stream.indirect_vreg.gather [hbm4b:s1+s3], $0x80, v4, vm0, $0xb8;
	[tilespmem:$0x1B200] =	vst v63  }
0x341: {  	s16 =	simm.s32 $0xE200  }
0x342: {  	[tilespmem:s16], [sflag:$0x2] =	stream.indirect_vreg.gather [hbm4b:s5+s3], $0x80, v4, vm0, $0xb8;
	[tilespmem:$0x1B200] =	vst v63  }
0x343: {  	v3 =	vperm.xlane v3, v2;
	s16 =	simm.s32 $0xEA00  }
0x344: {  	[tilespmem:s16], [sflag:$0x2] =	stream.indirect_vreg.gather [hbm4b:s6+s3], $0x80, v4, vm0, $0xb8;
	[tilespmem:$0x1B200] =	vst v63  }
0x345: {  	v3 =	vadd.s32 v1, v3;
	s16 =	simm.s32 $0xF200  }
0x346: {  	[tilespmem:s16], [sflag:$0x2] =	stream.indirect_vreg.gather [hbm4b:s7+s3], $0x80, v4, vm0, $0xb8;
	[tilespmem:$0x1B200] =	vst v63  }
0x347: {  	s16 =	simm.s32 $0xFA00  }
0x348: {  	[tilespmem:s16], [sflag:$0x2] =	stream.indirect_vreg.gather [hbm4b:s8+s3], $0x80, v4, vm1, $0xb8;
	[tilespmem:$0x1B200] =	vst v63  }
0x349: {  	s16 =	simm.s32 $0xFE00  }
0x34a: {  	[tilespmem:s16], [sflag:$0x2] =	stream.indirect_vreg.gather [hbm4b:s1+s3], $0x80, v3, vm0, $0xb8;
	[tilespmem:$0x1B200] =	vst v63  }
0x34b: {  	s16 =	simm.s32 $0x10600  }
0x34c: {  	[tilespmem:s16], [sflag:$0x2] =	stream.indirect_vreg.gather [hbm4b:s5+s3], $0x80, v3, vm0, $0xb8;
	[tilespmem:$0x1B200] =	vst v63  }
0x34d: {  	s16 =	simm.s32 $0x10E00  }
0x34e: {  	[tilespmem:s16], [sflag:$0x2] =	stream.indirect_vreg.gather [hbm4b:s6+s3], $0x80, v3, vm0, $0xb8;
	[tilespmem:$0x1B200] =	vst v63  }
0x34f: {  	s16 =	simm.s32 $0x11600  }
0x350: {  	[tilespmem:s16], [sflag:$0x2] =	stream.indirect_vreg.gather [hbm4b:s7+s3], $0x80, v3, vm0, $0xb8;
	[tilespmem:$0x1B200] =	vst v63  }
0x351: {  	s16 =	simm.s32 $0x11E00  }
0x352: {  	[tilespmem:s16], [sflag:$0x2] =	stream.indirect_vreg.gather [hbm4b:s8+s3], $0x80, v3, vm1, $0xb8;
	[tilespmem:$0x1B200] =	vst v63  }
0x353: {  	_ =	swait.ge [sflag:s14], $0x9000  }
0x354: {  	[sflag:s14] =	ssyncset.done $0x0  }
0x355: {  	s9 =	simm.s32 $0x12200;
	s16 =	rddreg [dreg:$0xf];
	[sflag:s14] =	ssyncadd.s32 $0xFFFF7000  }
0x356: {  	[hbm4b:s16+s3] =	stream.linear.scatter [tilespmem:s9], [sflag:$0x6], $0x9000, $0x38;
	[tilespmem:$0x1B200] =	vst v63  }
0x357: {  	_ =	swait.ge [sflag:s15], $0x9000  }
0x358: {  	[sflag:s15] =	ssyncset.done $0x0  }
0x359: {  	[sflag:s15] =	ssyncadd.s32 $0xFFFF7000  }
0x35a: {  	v3 =	vld [tilespmem:$0x1C0];
	_ =	sdelay $0x4  }
0x35b: {  	v60 =	vshrl.u32 v3, $0x3  }
0x35c: {  	v4 =	vmul.u32 $0x48, v60  }
0x35d: {  	v3 =	vand.u32 $0x7, v3  }
0x35e: {  	v3 =	vor.u32 v3, v4  }
0x35f: {  	v4 =	vperm.xlane v3, v0;
	_ =	sdelay $0x1  }
0x360: {  	v4 =	vadd.s32 v1, v4;
	_ =	sdelay $0x4  }
0x361: {  	[tilespmem:s9], [sflag:$0x3] =	stream.indirect_vreg.gather [hbm4b:s1+s3], $0x80, v4, vm0, $0xb8;
	[tilespmem:$0x1B200] =	vst v63  }
0x362: {  	s16 =	simm.s32 $0x12A00  }
0x363: {  	[tilespmem:s16], [sflag:$0x3] =	stream.indirect_vreg.gather [hbm4b:s5+s3], $0x80, v4, vm0, $0xb8;
	[tilespmem:$0x1B200] =	vst v63  }
0x364: {  	v3 =	vperm.xlane v3, v2;
	s16 =	simm.s32 $0x13200  }
0x365: {  	[tilespmem:s16], [sflag:$0x3] =	stream.indirect_vreg.gather [hbm4b:s6+s3], $0x80, v4, vm0, $0xb8;
	[tilespmem:$0x1B200] =	vst v63  }
0x366: {  	v3 =	vadd.s32 v1, v3;
	s16 =	simm.s32 $0x13A00  }
0x367: {  	[tilespmem:s16], [sflag:$0x3] =	stream.indirect_vreg.gather [hbm4b:s7+s3], $0x80, v4, vm0, $0xb8;
	[tilespmem:$0x1B200] =	vst v63  }
0x368: {  	s16 =	simm.s32 $0x14200  }
0x369: {  	[tilespmem:s16], [sflag:$0x3] =	stream.indirect_vreg.gather [hbm4b:s8+s3], $0x80, v4, vm1, $0xb8;
	[tilespmem:$0x1B200] =	vst v63  }
0x36a: {  	s16 =	simm.s32 $0x14600  }
0x36b: {  	[tilespmem:s16], [sflag:$0x3] =	stream.indirect_vreg.gather [hbm4b:s1+s3], $0x80, v3, vm0, $0xb8;
	[tilespmem:$0x1B200] =	vst v63  }
0x36c: {  	s16 =	simm.s32 $0x14E00  }
0x36d: {  	[tilespmem:s16], [sflag:$0x3] =	stream.indirect_vreg.gather [hbm4b:s5+s3], $0x80, v3, vm0, $0xb8;
	[tilespmem:$0x1B200] =	vst v63  }
0x36e: {  	s16 =	simm.s32 $0x15600  }
0x36f: {  	[tilespmem:s16], [sflag:$0x3] =	stream.indirect_vreg.gather [hbm4b:s6+s3], $0x80, v3, vm0, $0xb8;
	[tilespmem:$0x1B200] =	vst v63  }
0x370: {  	s16 =	simm.s32 $0x15E00  }
0x371: {  	[tilespmem:s16], [sflag:$0x3] =	stream.indirect_vreg.gather [hbm4b:s7+s3], $0x80, v3, vm0, $0xb8;
	[tilespmem:$0x1B200] =	vst v63  }
0x372: {  	s16 =	simm.s32 $0x16600  }
0x373: {  	[tilespmem:s16], [sflag:$0x3] =	stream.indirect_vreg.gather [hbm4b:s8+s3], $0x80, v3, vm1, $0xb8;
	[tilespmem:$0x1B200] =	vst v63  }
0x374: {  	v3 =	vld [tilespmem:$0x1D0];
	_ =	sdelay $0x4  }
0x375: {  	v61 =	vshrl.u32 v3, $0x3  }
0x376: {  	v4 =	vmul.u32 $0x48, v61  }
0x377: {  	v3 =	vand.u32 $0x7, v3  }
0x378: {  	v3 =	vor.u32 v3, v4  }
0x379: {  	v4 =	vperm.xlane v3, v0;
	_ =	sdelay $0x1  }
0x37a: {  	v4 =	vadd.s32 v1, v4;
	_ =	sdelay $0x3  }
0x37b: {  	s16 =	simm.s32 $0x16A00  }
0x37c: {  	[tilespmem:s16], [sflag:$0x3] =	stream.indirect_vreg.gather [hbm4b:s1+s3], $0x80, v4, vm0, $0xb8;
	[tilespmem:$0x1B200] =	vst v63  }
0x37d: {  	s16 =	simm.s32 $0x17200  }
0x37e: {  	[tilespmem:s16], [sflag:$0x3] =	stream.indirect_vreg.gather [hbm4b:s5+s3], $0x80, v4, vm0, $0xb8;
	[tilespmem:$0x1B200] =	vst v63  }
0x37f: {  	v3 =	vperm.xlane v3, v2;
	s16 =	simm.s32 $0x17A00  }
0x380: {  	[tilespmem:s16], [sflag:$0x3] =	stream.indirect_vreg.gather [hbm4b:s6+s3], $0x80, v4, vm0, $0xb8;
	[tilespmem:$0x1B200] =	vst v63  }
0x381: {  	v3 =	vadd.s32 v1, v3;
	s16 =	simm.s32 $0x18200  }
0x382: {  	[tilespmem:s16], [sflag:$0x3] =	stream.indirect_vreg.gather [hbm4b:s7+s3], $0x80, v4, vm0, $0xb8;
	[tilespmem:$0x1B200] =	vst v63  }
0x383: {  	s16 =	simm.s32 $0x18A00  }
0x384: {  	[tilespmem:s16], [sflag:$0x3] =	stream.indirect_vreg.gather [hbm4b:s8+s3], $0x80, v4, vm1, $0xb8;
	[tilespmem:$0x1B200] =	vst v63  }
0x385: {  	s16 =	simm.s32 $0x18E00  }
0x386: {  	[tilespmem:s16], [sflag:$0x3] =	stream.indirect_vreg.gather [hbm4b:s1+s3], $0x80, v3, vm0, $0xb8;
	[tilespmem:$0x1B200] =	vst v63  }
0x387: {  	s16 =	simm.s32 $0x19600  }
0x388: {  	[tilespmem:s16], [sflag:$0x3] =	stream.indirect_vreg.gather [hbm4b:s5+s3], $0x80, v3, vm0, $0xb8;
	[tilespmem:$0x1B200] =	vst v63  }
0x389: {  	s16 =	simm.s32 $0x19E00  }
0x38a: {  	[tilespmem:s16], [sflag:$0x3] =	stream.indirect_vreg.gather [hbm4b:s6+s3], $0x80, v3, vm0, $0xb8;
	[tilespmem:$0x1B200] =	vst v63  }
0x38b: {  	s16 =	simm.s32 $0x1A600  }
0x38c: {  	[tilespmem:s16], [sflag:$0x3] =	stream.indirect_vreg.gather [hbm4b:s7+s3], $0x80, v3, vm0, $0xb8;
	[tilespmem:$0x1B200] =	vst v63  }
0x38d: {  	s16 =	simm.s32 $0x1AE00  }
0x38e: {  	[tilespmem:s16], [sflag:$0x3] =	stream.indirect_vreg.gather [hbm4b:s8+s3], $0x80, v3, vm1, $0xb8;
	[tilespmem:$0x1B200] =	vst v63  }
0x38f: {  	_ =	swait.ge [sflag:s0], $0x9000  }
0x390: {  	[sflag:s0] =	ssyncset.done $0x0  }
0x391: {  	s17 =	simm.s32 $0x200;
	s16 =	rddreg [dreg:$0x10];
	[sflag:s0] =	ssyncadd.s32 $0xFFFF7000  }
0x392: {  	[hbm4b:s16+s3] =	stream.linear.scatter [tilespmem:s17], [sflag:$0x4], $0x9000, $0x38;
	[tilespmem:$0x1B200] =	vst v63  }
0x393: {  	_ =	swait.ge [sflag:s10], $0x9000  }
0x394: {  	[sflag:s10] =	ssyncset.done $0x0  }
0x395: {  	[sflag:s10] =	ssyncadd.s32 $0xFFFF7000  }
0x396: {  	v3 =	vld [tilespmem:$0x1E0];
	_ =	sdelay $0x4  }
0x397: {  	v62 =	vshrl.u32 v3, $0x3  }
0x398: {  	v4 =	vmul.u32 $0x48, v62  }
0x399: {  	v3 =	vand.u32 $0x7, v3  }
0x39a: {  	v3 =	vor.u32 v3, v4  }
0x39b: {  	v4 =	vperm.xlane v3, v0;
	_ =	sdelay $0x1  }
0x39c: {  	v4 =	vadd.s32 v1, v4;
	_ =	sdelay $0x4  }
0x39d: {  	[tilespmem:s17], [sflag:$0x1] =	stream.indirect_vreg.gather [hbm4b:s1+s3], $0x80, v4, vm0, $0xb8;
	[tilespmem:$0x1B200] =	vst v63  }
0x39e: {  	s16 =	simm.s32 $0xA00  }
0x39f: {  	[tilespmem:s16], [sflag:$0x1] =	stream.indirect_vreg.gather [hbm4b:s5+s3], $0x80, v4, vm0, $0xb8;
	[tilespmem:$0x1B200] =	vst v63  }
0x3a0: {  	s30 =	simm.s32 $0x1200;
	v3 =	vperm.xlane v3, v2  }
0x3a1: {  	[tilespmem:s30], [sflag:$0x1] =	stream.indirect_vreg.gather [hbm4b:s6+s3], $0x80, v4, vm0, $0xb8;
	[tilespmem:$0x1B200] =	vst v63  }
0x3a2: {  	v3 =	vadd.s32 v1, v3;
	s30 =	simm.s32 $0x1A00  }
0x3a3: {  	[tilespmem:s30], [sflag:$0x1] =	stream.indirect_vreg.gather [hbm4b:s7+s3], $0x80, v4, vm0, $0xb8;
	[tilespmem:$0x1B200] =	vst v63  }
0x3a4: {  	s30 =	simm.s32 $0x2200  }
0x3a5: {  	[tilespmem:s30], [sflag:$0x1] =	stream.indirect_vreg.gather [hbm4b:s8+s3], $0x80, v4, vm1, $0xb8;
	[tilespmem:$0x1B200] =	vst v63  }
0x3a6: {  	s11 =	simm.s32 $0x2600  }
0x3a7: {  	[tilespmem:s11], [sflag:$0x1] =	stream.indirect_vreg.gather [hbm4b:s1+s3], $0x80, v3, vm0, $0xb8;
	[tilespmem:$0x1B200] =	vst v63  }
0x3a8: {  	s18 =	simm.s32 $0x2E00  }
0x3a9: {  	[tilespmem:s18], [sflag:$0x1] =	stream.indirect_vreg.gather [hbm4b:s5+s3], $0x80, v3, vm0, $0xb8;
	[tilespmem:$0x1B200] =	vst v63  }
0x3aa: {  	s19 =	simm.s32 $0x3600  }
0x3ab: {  	[tilespmem:s19], [sflag:$0x1] =	stream.indirect_vreg.gather [hbm4b:s6+s3], $0x80, v3, vm0, $0xb8;
	[tilespmem:$0x1B200] =	vst v63  }
0x3ac: {  	s20 =	simm.s32 $0x3E00  }
0x3ad: {  	[tilespmem:s20], [sflag:$0x1] =	stream.indirect_vreg.gather [hbm4b:s7+s3], $0x80, v3, vm0, $0xb8;
	[tilespmem:$0x1B200] =	vst v63  }
0x3ae: {  	s31 =	simm.s32 $0x4600  }
0x3af: {  	[tilespmem:s31], [sflag:$0x1] =	stream.indirect_vreg.gather [hbm4b:s8+s3], $0x80, v3, vm1, $0xb8;
	[tilespmem:$0x1B200] =	vst v63  }
0x3b0: {  	v3 =	vld [tilespmem:$0x1F0];
	_ =	sdelay $0x4  }
0x3b1: {  	v63 =	vshrl.u32 v3, $0x3  }
0x3b2: {  	v4 =	vmul.u32 $0x48, v63  }
0x3b3: {  	v3 =	vand.u32 $0x7, v3  }
0x3b4: {  	v3 =	vor.u32 v3, v4  }
0x3b5: {  	v4 =	vperm.xlane v3, v0;
	_ =	sdelay $0x1  }
0x3b6: {  	v4 =	vadd.s32 v1, v4;
	_ =	sdelay $0x3  }
0x3b7: {  	s21 =	simm.s32 $0x4A00  }
0x3b8: {  	[tilespmem:s21], [sflag:$0x1] =	stream.indirect_vreg.gather [hbm4b:s1+s3], $0x80, v4, vm0, $0xb8;
	[tilespmem:$0x1B200] =	vst v63  }
0x3b9: {  	s20 =	simm.s32 $0x5200  }
0x3ba: {  	[tilespmem:s20], [sflag:$0x1] =	stream.indirect_vreg.gather [hbm4b:s5+s3], $0x80, v4, vm0, $0xb8;
	[tilespmem:$0x1B200] =	vst v63  }
0x3bb: {  	v3 =	vperm.xlane v3, v2;
	s21 =	simm.s32 $0x5A00  }
0x3bc: {  	[tilespmem:s21], [sflag:$0x1] =	stream.indirect_vreg.gather [hbm4b:s6+s3], $0x80, v4, vm0, $0xb8;
	[tilespmem:$0x1B200] =	vst v63  }
0x3bd: {  	s22 =	simm.s32 $0x6200;
	v3 =	vadd.s32 v1, v3  }
0x3be: {  	[tilespmem:s22], [sflag:$0x1] =	stream.indirect_vreg.gather [hbm4b:s7+s3], $0x80, v4, vm0, $0xb8;
	[tilespmem:$0x1B200] =	vst v63  }
0x3bf: {  	s23 =	simm.s32 $0x6A00  }
0x3c0: {  	[tilespmem:s23], [sflag:$0x1] =	stream.indirect_vreg.gather [hbm4b:s8+s3], $0x80, v4, vm1, $0xb8;
	[tilespmem:$0x1B200] =	vst v63  }
0x3c1: {  	s24 =	simm.s32 $0x6E00  }
0x3c2: {  	[tilespmem:s24], [sflag:$0x1] =	stream.indirect_vreg.gather [hbm4b:s1+s3], $0x80, v3, vm0, $0xb8;
	[tilespmem:$0x1B200] =	vst v63  }
0x3c3: {  	s25 =	simm.s32 $0x7600  }
0x3c4: {  	[tilespmem:s25], [sflag:$0x1] =	stream.indirect_vreg.gather [hbm4b:s5+s3], $0x80, v3, vm0, $0xb8;
	[tilespmem:$0x1B200] =	vst v63  }
0x3c5: {  	s26 =	simm.s32 $0x7E00  }
0x3c6: {  	[tilespmem:s26], [sflag:$0x1] =	stream.indirect_vreg.gather [hbm4b:s6+s3], $0x80, v3, vm0, $0xb8;
	[tilespmem:$0x1B200] =	vst v63  }
0x3c7: {  	s28 =	simm.s32 $0x8600  }
0x3c8: {  	[tilespmem:s28], [sflag:$0x1] =	stream.indirect_vreg.gather [hbm4b:s7+s3], $0x80, v3, vm0, $0xb8;
	[tilespmem:$0x1B200] =	vst v63  }
0x3c9: {  	s29 =	simm.s32 $0x8E00  }
0x3ca: {  	[tilespmem:s29], [sflag:$0x1] =	stream.indirect_vreg.gather [hbm4b:s8+s3], $0x80, v3, vm1, $0xb8;
	[tilespmem:$0x1B200] =	vst v63  }
0x3cb: {  	_ =	swait.ge [sflag:s12], $0x9000  }
0x3cc: {  	[sflag:s12] =	ssyncset.done $0x0  }
0x3cd: {  	s4 =	simm.s32 $0x9200;
	s29 =	rddreg [dreg:$0x11];
	[sflag:s12] =	ssyncadd.s32 $0xFFFF7000  }
0x3ce: {  	[hbm4b:s29+s3] =	stream.linear.scatter [tilespmem:s4], [sflag:$0x5], $0x9000, $0x38;
	[tilespmem:$0x1B200] =	vst v63  }
0x3cf: {  	_ =	swait.ge [sflag:s14], $0x9000  }
0x3d0: {  	[sflag:s14] =	ssyncset.done $0x0  }
0x3d1: {  	s9 =	simm.s32 $0x12200;
	s30 =	rddreg [dreg:$0x12];
	[sflag:s14] =	ssyncadd.s32 $0xFFFF7000  }
0x3d2: {  	[hbm4b:s30+s3] =	stream.linear.scatter [tilespmem:s9], [sflag:$0x6], $0x9000, $0x38;
	[tilespmem:$0x1B200] =	vst v63  }
0x3d3: {  	_ =	swait.ge [sflag:s0], $0x9000  }
0x3d4: {  	[sflag:s0] =	ssyncset.done $0x0  }
0x3d5: {  	s31 =	rddreg [dreg:$0x13];
	[sflag:s0] =	ssyncadd.s32 $0xFFFF7000  }
0x3d6: {  	[hbm4b:s31+s3] =	stream.linear.scatter [tilespmem:s17], [sflag:$0x4], $0x9000, $0x38;
	[tilespmem:$0x1B200] =	vst v63  }
0x3d7: {  	_ =	swait.ge [sflag:s13], $0x9000  }
0x3d8: {  	[sflag:s13] =	ssyncset.done $0x0  }
0x3d9: {  	[sflag:s13] =	ssyncadd.s32 $0xFFFF7000  }
0x3da: {  	p0 =	sne.s32 s2, $0x1;
	_ =	swait.ge [sflag:s15], $0x9000  }
.Ltmp0:
0x3db: {  	[sflag:s15] =	ssyncset.done $0x0;
	(pc) =	sbr.rel @p0 .LBB2_1-.Ltmp0, $4  }
0x3dc: {  	[sflag:s15] =	ssyncadd.s32 $0xFFFF7000  }
0x3dd: {  	_ =	swait.ge [sflag:s10], $0x9000  }
0x3de: {  	[sflag:s10] =	ssyncset.done $0x0  }
0x3df: {  	s2 =	sadd.s32 $0xFFFFFFFF, s2;
	[sflag:s10] =	ssyncadd.s32 $0xFFFF7000  }
0x3e0: {  	_ =	sfence.sel $0x180000  }
0x3e1: {  	[bflag:$0x0] =	sbarrier.arrive $0xFFFF  }
0x3e2: {  	_ =	strace $0x90000047  }
0x3e3: {  	s0 =	stileid.u32;
	[bflag:$0x2] =	sbarrier.arrive $0xFFFF  }
0x3e4: {  	p0 =	sne.s32 s0, $0x0;
	s0 =	rddreg [dreg:$0x3]  }
0x3e5: {  	s0 =	sadd.s32 @!p0 $0x100000, s0  }
0x3e6: {  	[sflag:s0] =	ssyncadd.tile.s32 @!p0 $0x1;
	_ =	shalt  }
.Lfunc_end2:
_tile_overlayer_lowered:
.L_overlay_start_2:
0x3e7: {  	(tag) =	ssettag $0x2  }
0x3e8: {  	s0 =	rddreg [dreg:$0x0];
	s2 =	stileid.u32  }
0x3e9: {  	s1 =	rddreg [dreg:$0x1];
	p0 =	sne.s32 s2, $0x0  }
0x3ea: {  	s3 =	rddreg [dreg:$0x2];
	[bflag:$0x3] =	sbarrier.arrive $0xFFFF;
	s2 =	simm.s32 @!p0 $0x1C07  }
0x3eb: {  	[timem:s3], [sflag:s2] =	dma.local @!p0 [hbm:s0], s1  }
0x3ec: {  	s0 =	simm.s32 @!p0 $0x7  }
0x3ed: {  	_ =	swait.ge @!p0 [sflag:s0], s1  }
0x3ee: {  	s1 =	ssub.s32 @!p0 $0x0, s1;
	[sflag:s0] =	ssyncset.done @!p0 $0x0  }
0x3ef: {  	[sflag:s0] =	ssyncadd.s32 @!p0 s1  }
0x3f0: {  	[bflag:$0x3] =	sbarrier.arrive $0xFFFF  }
0x3f1: {  	_ =	shalt  }

</sc_bundles>
